<compile_context>
chip_gen: v7x
topology: tpu7x:2x2x1
jax: 0.10.2.dev20260603
libtpu: 0.0.44.dev20260713+nightly
codegen_flags: <defaults>
</compile_context>

<pallas_src>
import functools

import jax
import jax.numpy as jnp
from jax import lax
from jax.experimental import pallas as pl
from jax.experimental.pallas import tpu as pltpu
from jax.experimental.pallas import tpu_sc as plsc

VOCAB = 1000000
DIM = 64
B = 16384
L = 200

NC = 2
NS = 16
NW = NC * NS

N = B * L
ROWS_PER_W = N // NW
IDX_MINOR = 128
IDX_ROWS = 2
CHUNK = IDX_MINOR * IDX_ROWS
NBUF = 4
NCHUNKS = ROWS_PER_W // CHUNK


def _sc_gather(h2d, table):
    mesh = plsc.VectorSubcoreMesh(core_axis_name="c", subcore_axis_name="s")

    @functools.partial(
        pl.kernel,
        out_type=jax.ShapeDtypeStruct((N, DIM), jnp.float32),
        mesh=mesh,
        compiler_params=pltpu.CompilerParams(use_tc_tiling_on_sc=False),
        scratch_types=(
            [pltpu.VMEM((IDX_ROWS, IDX_MINOR), jnp.int32)] * NBUF
            + [pltpu.VMEM((CHUNK, DIM), jnp.float32)] * NBUF
            + [pltpu.SemaphoreType.DMA] * (3 * NBUF)
        ),
    )
    def k(h_hbm, table_hbm, out_hbm, *bufs):
        idx = bufs[:NBUF]
        rows = bufs[NBUF:2 * NBUF]
        si = bufs[2 * NBUF:2 * NBUF + NBUF]
        sg = bufs[3 * NBUF:3 * NBUF + NBUF]
        so = bufs[4 * NBUF:]

        wid = lax.axis_index("s") * NC + lax.axis_index("c")
        base = wid * ROWS_PER_W

        def idx_cp(c, b):
            irow0 = pl.multiple_of((base + c * CHUNK) // IDX_MINOR, IDX_ROWS)
            return pltpu.make_async_copy(
                h_hbm.at[pl.ds(irow0, IDX_ROWS)], idx[b], si[b])

        def gather_cps(b):
            return [
                pltpu.make_async_copy(
                    table_hbm.at[idx[b].at[j]],
                    rows[b].at[pl.ds(j * IDX_MINOR, IDX_MINOR)],
                    sg[b],
                )
                for j in range(IDX_ROWS)
            ]

        def out_cp(c, b):
            row0 = pl.multiple_of(base + c * CHUNK, CHUNK)
            return pltpu.make_async_copy(
                rows[b], out_hbm.at[pl.ds(row0, CHUNK)], so[b])

        for b in range(NBUF):
            idx_cp(b, b).start()
        for b in range(NBUF - 1):
            idx_cp(b, b).wait()
            for cp in gather_cps(b):
                cp.start()

        @pl.loop(0, NCHUNKS, step=NBUF)
        def _group(g):
            for b in range(NBUF):
                c = g + b
                a = (b + NBUF - 1) % NBUF

                @pl.when(c + NBUF - 1 < NCHUNKS)
                def _():
                    idx_cp(c + NBUF - 1, a).wait()

                    @pl.when(c >= 1)
                    def _():
                        out_cp(c - 1, a).wait()

                    for cp in gather_cps(a):
                        cp.start()

                for cp in gather_cps(b):
                    cp.wait()
                out_cp(c, b).start()

                @pl.when(c + NBUF < NCHUNKS)
                def _():
                    idx_cp(c + NBUF, b).start()

        for d in range(NBUF, 0, -1):
            c = NCHUNKS - d
            out_cp(c, c % NBUF).wait()

    return k(h2d, table)


def kernel(h, table):
    h2d = h.reshape(N // IDX_MINOR, IDX_MINOR)
    out = _sc_gather(h2d, table)
    return out.reshape(B, L * DIM)

# --- scband reference (transcript-rebuilt; emitter-appended) ---
"""Pipeline reference for scband-embedding-layer-64725157151116 (READ-ONLY COPY).

The authoritative reference and input builder live on the scoring server;
editing this copy changes nothing except your own understanding.
"""

import jax, jax.numpy as jnp
import numpy as np

VOCAB = 1000000
DIM = 64
B = 16384
L = 200

def setup_inputs(seed: int = 0) -> dict:
    key = jax.random.key(seed)
    k1, k2 = jax.random.split(key)
    h = jax.random.randint(k1, (B, L), 0, VOCAB, dtype=jnp.int64 if jax.config.jax_enable_x64 else jnp.int32).astype(jnp.int32)
    table = jax.random.normal(k2, (VOCAB, DIM), dtype=jnp.float32)
    return {"h": h, "table": table}

def reference(h, table):
    # nn.Embedding lookup: [B, L] -> [B, L, DIM]
    emb = jnp.take(table, h, axis=0)
    # torch.flatten(h, start_dim=1, end_dim=2): [B, L, DIM] -> [B, L*DIM]
    out = emb.reshape(emb.shape[0], emb.shape[1] * emb.shape[2])
    return out

if __name__ == "__main__":
    import jax
    _d = setup_inputs()
    print(jax.jit(kernel)(*tuple(_d.values())))

</pallas_src>

<mosaic_0001>
#map = affine_map<(d0, d1) -> (0, 0)>
module attributes {stable_mosaic.version = 14 : i64} {
  func.func @k(%arg0: i32, %arg1: i32, %arg2: memref<25600x128xi32, #tpu.memory_space<hbm>>, %arg3: memref<1000000x64xf32, #tpu.memory_space<hbm>>, %arg4: memref<3276800x64xf32, #tpu.memory_space<hbm>>, %arg5: memref<2x128xi32, #tpu.memory_space<vmem>>, %arg6: memref<2x128xi32, #tpu.memory_space<vmem>>, %arg7: memref<2x128xi32, #tpu.memory_space<vmem>>, %arg8: memref<2x128xi32, #tpu.memory_space<vmem>>, %arg9: memref<256x64xf32, #tpu.memory_space<vmem>>, %arg10: memref<256x64xf32, #tpu.memory_space<vmem>>, %arg11: memref<256x64xf32, #tpu.memory_space<vmem>>, %arg12: memref<256x64xf32, #tpu.memory_space<vmem>>, %arg13: memref<!tpu.dma_semaphore, #tpu.memory_space<semaphore_mem>>, %arg14: memref<!tpu.dma_semaphore, #tpu.memory_space<semaphore_mem>>, %arg15: memref<!tpu.dma_semaphore, #tpu.memory_space<semaphore_mem>>, %arg16: memref<!tpu.dma_semaphore, #tpu.memory_space<semaphore_mem>>, %arg17: memref<!tpu.dma_semaphore, #tpu.memory_space<semaphore_mem>>, %arg18: memref<!tpu.dma_semaphore, #tpu.memory_space<semaphore_mem>>, %arg19: memref<!tpu.dma_semaphore, #tpu.memory_space<semaphore_mem>>, %arg20: memref<!tpu.dma_semaphore, #tpu.memory_space<semaphore_mem>>, %arg21: memref<!tpu.dma_semaphore, #tpu.memory_space<semaphore_mem>>, %arg22: memref<!tpu.dma_semaphore, #tpu.memory_space<semaphore_mem>>, %arg23: memref<!tpu.dma_semaphore, #tpu.memory_space<semaphore_mem>>, %arg24: memref<!tpu.dma_semaphore, #tpu.memory_space<semaphore_mem>>) attributes {dimension_semantics = [#tpu.dimension_semantics<core_parallel>, #tpu.dimension_semantics<subcore_parallel>], iteration_bounds = array<i64: 2, 16>, scalar_prefetch = 0 : i64, scratch_operands = 20 : i64, tpu.core_type = #tpu.core_type<sc_vector_subcore>, window_params = [{transform_indices = #map}, {transform_indices = #map}, {transform_indices = #map}]} {
    %mul3A = arith.constant 2 : i32
    %mul3A_0 = arith.muli %arg1, %mul3A : i32
    %add3A = arith.addi %mul3A_0, %arg0 : i32
    %mul3A_1 = arith.constant 102400 : i32
    %mul3A_2 = arith.muli %add3A, %mul3A_1 : i32
    %add3A_3 = arith.constant 0 : i32
    %add3A_4 = arith.addi %mul3A_2, %add3A_3 : i32
    %jit3A = arith.constant 128 : i32
    %div3A = arith.divsi %add3A_4, %jit3A : i32
    %sign3A = arith.constant 0 : i32
    %sign3A_5 = arith.cmpi sgt, %add3A_4, %sign3A : i32
    %sign3A_6 = arith.extui %sign3A_5 : i1 to i32
    %sign3A_7 = arith.constant 0 : i32
    %sign3A_8 = arith.cmpi slt, %add3A_4, %sign3A_7 : i32
    %sign3A_9 = arith.extui %sign3A_8 : i1 to i32
    %sign3A_10 = arith.subi %sign3A_6, %sign3A_9 : i32
    %sign3A_11 = arith.constant 0 : i32
    %sign3A_12 = arith.cmpi sgt, %jit3A, %sign3A_11 : i32
    %sign3A_13 = arith.extui %sign3A_12 : i1 to i32
    %sign3A_14 = arith.constant 0 : i32
    %sign3A_15 = arith.cmpi slt, %jit3A, %sign3A_14 : i32
    %sign3A_16 = arith.extui %sign3A_15 : i1 to i32
    %sign3A_17 = arith.subi %sign3A_13, %sign3A_16 : i32
    %ne3A = arith.cmpi ne, %sign3A_10, %sign3A_17 : i32
    %rem3A = arith.remsi %add3A_4, %jit3A : i32
    %ne3A_18 = arith.constant 0 : i32
    %ne3A_19 = arith.cmpi ne, %rem3A, %ne3A_18 : i32
    %and3A = arith.andi %ne3A, %ne3A_19 : i1
    %sub3A = arith.constant 1 : i32
    %sub3A_20 = arith.subi %div3A, %sub3A : i32
    %select_n3A = arith.select %and3A, %sub3A_20, %div3A : i32
    %multiple_of3A = tpu.assume_multiple %select_n3A, 2 : i32
    %dma_start3A = arith.constant 0 : i32
    %dma_start3A_21 = tpu.memref_slice %arg2[%multiple_of3A, %dma_start3A] : memref<25600x128xi32, #tpu.memory_space<hbm>> -> memref<2x128xi32, #tpu.memory_space<hbm>>
    %dma_start3A_22 = arith.constant 0 : i32
    %dma_start3A_23 = tpu.memref_slice %arg2[%multiple_of3A, %dma_start3A_22] : memref<25600x128xi32, #tpu.memory_space<hbm>> -> memref<2x128xi32, #tpu.memory_space<hbm>>
    tpu.enqueue_dma source(%dma_start3A_23 : memref<2x128xi32, #tpu.memory_space<hbm>>) target(%arg5 : memref<2x128xi32, #tpu.memory_space<vmem>>) target_semaphore(%arg13 : memref<!tpu.dma_semaphore, #tpu.memory_space<semaphore_mem>>)
    %add3A_24 = arith.constant 256 : i32
    %add3A_25 = arith.addi %mul3A_2, %add3A_24 : i32
    %jit3A_26 = arith.constant 128 : i32
    %div3A_27 = arith.divsi %add3A_25, %jit3A_26 : i32
    %sign3A_28 = arith.constant 0 : i32
    %sign3A_29 = arith.cmpi sgt, %add3A_25, %sign3A_28 : i32
    %sign3A_30 = arith.extui %sign3A_29 : i1 to i32
    %sign3A_31 = arith.constant 0 : i32
    %sign3A_32 = arith.cmpi slt, %add3A_25, %sign3A_31 : i32
    %sign3A_33 = arith.extui %sign3A_32 : i1 to i32
    %sign3A_34 = arith.subi %sign3A_30, %sign3A_33 : i32
    %sign3A_35 = arith.constant 0 : i32
    %sign3A_36 = arith.cmpi sgt, %jit3A_26, %sign3A_35 : i32
    %sign3A_37 = arith.extui %sign3A_36 : i1 to i32
    %sign3A_38 = arith.constant 0 : i32
    %sign3A_39 = arith.cmpi slt, %jit3A_26, %sign3A_38 : i32
    %sign3A_40 = arith.extui %sign3A_39 : i1 to i32
    %sign3A_41 = arith.subi %sign3A_37, %sign3A_40 : i32
    %ne3A_42 = arith.cmpi ne, %sign3A_34, %sign3A_41 : i32
    %rem3A_43 = arith.remsi %add3A_25, %jit3A_26 : i32
    %ne3A_44 = arith.constant 0 : i32
    %ne3A_45 = arith.cmpi ne, %rem3A_43, %ne3A_44 : i32
    %and3A_46 = arith.andi %ne3A_42, %ne3A_45 : i1
    %sub3A_47 = arith.constant 1 : i32
    %sub3A_48 = arith.subi %div3A_27, %sub3A_47 : i32
    %select_n3A_49 = arith.select %and3A_46, %sub3A_48, %div3A_27 : i32
    %multiple_of3A_50 = tpu.assume_multiple %select_n3A_49, 2 : i32
    %dma_start3A_51 = arith.constant 0 : i32
    %dma_start3A_52 = tpu.memref_slice %arg2[%multiple_of3A_50, %dma_start3A_51] : memref<25600x128xi32, #tpu.memory_space<hbm>> -> memref<2x128xi32, #tpu.memory_space<hbm>>
    %dma_start3A_53 = arith.constant 0 : i32
    %dma_start3A_54 = tpu.memref_slice %arg2[%multiple_of3A_50, %dma_start3A_53] : memref<25600x128xi32, #tpu.memory_space<hbm>> -> memref<2x128xi32, #tpu.memory_space<hbm>>
    tpu.enqueue_dma source(%dma_start3A_54 : memref<2x128xi32, #tpu.memory_space<hbm>>) target(%arg6 : memref<2x128xi32, #tpu.memory_space<vmem>>) target_semaphore(%arg14 : memref<!tpu.dma_semaphore, #tpu.memory_space<semaphore_mem>>)
    %add3A_55 = arith.constant 512 : i32
    %add3A_56 = arith.addi %mul3A_2, %add3A_55 : i32
    %jit3A_57 = arith.constant 128 : i32
    %div3A_58 = arith.divsi %add3A_56, %jit3A_57 : i32
    %sign3A_59 = arith.constant 0 : i32
    %sign3A_60 = arith.cmpi sgt, %add3A_56, %sign3A_59 : i32
    %sign3A_61 = arith.extui %sign3A_60 : i1 to i32
    %sign3A_62 = arith.constant 0 : i32
    %sign3A_63 = arith.cmpi slt, %add3A_56, %sign3A_62 : i32
    %sign3A_64 = arith.extui %sign3A_63 : i1 to i32
    %sign3A_65 = arith.subi %sign3A_61, %sign3A_64 : i32
    %sign3A_66 = arith.constant 0 : i32
    %sign3A_67 = arith.cmpi sgt, %jit3A_57, %sign3A_66 : i32
    %sign3A_68 = arith.extui %sign3A_67 : i1 to i32
    %sign3A_69 = arith.constant 0 : i32
    %sign3A_70 = arith.cmpi slt, %jit3A_57, %sign3A_69 : i32
    %sign3A_71 = arith.extui %sign3A_70 : i1 to i32
    %sign3A_72 = arith.subi %sign3A_68, %sign3A_71 : i32
    %ne3A_73 = arith.cmpi ne, %sign3A_65, %sign3A_72 : i32
    %rem3A_74 = arith.remsi %add3A_56, %jit3A_57 : i32
    %ne3A_75 = arith.constant 0 : i32
    %ne3A_76 = arith.cmpi ne, %rem3A_74, %ne3A_75 : i32
    %and3A_77 = arith.andi %ne3A_73, %ne3A_76 : i1
    %sub3A_78 = arith.constant 1 : i32
    %sub3A_79 = arith.subi %div3A_58, %sub3A_78 : i32
    %select_n3A_80 = arith.select %and3A_77, %sub3A_79, %div3A_58 : i32
    %multiple_of3A_81 = tpu.assume_multiple %select_n3A_80, 2 : i32
    %dma_start3A_82 = arith.constant 0 : i32
    %dma_start3A_83 = tpu.memref_slice %arg2[%multiple_of3A_81, %dma_start3A_82] : memref<25600x128xi32, #tpu.memory_space<hbm>> -> memref<2x128xi32, #tpu.memory_space<hbm>>
    %dma_start3A_84 = arith.constant 0 : i32
    %dma_start3A_85 = tpu.memref_slice %arg2[%multiple_of3A_81, %dma_start3A_84] : memref<25600x128xi32, #tpu.memory_space<hbm>> -> memref<2x128xi32, #tpu.memory_space<hbm>>
    tpu.enqueue_dma source(%dma_start3A_85 : memref<2x128xi32, #tpu.memory_space<hbm>>) target(%arg7 : memref<2x128xi32, #tpu.memory_space<vmem>>) target_semaphore(%arg15 : memref<!tpu.dma_semaphore, #tpu.memory_space<semaphore_mem>>)
    %add3A_86 = arith.constant 768 : i32
    %add3A_87 = arith.addi %mul3A_2, %add3A_86 : i32
    %jit3A_88 = arith.constant 128 : i32
    %div3A_89 = arith.divsi %add3A_87, %jit3A_88 : i32
    %sign3A_90 = arith.constant 0 : i32
    %sign3A_91 = arith.cmpi sgt, %add3A_87, %sign3A_90 : i32
    %sign3A_92 = arith.extui %sign3A_91 : i1 to i32
    %sign3A_93 = arith.constant 0 : i32
    %sign3A_94 = arith.cmpi slt, %add3A_87, %sign3A_93 : i32
    %sign3A_95 = arith.extui %sign3A_94 : i1 to i32
    %sign3A_96 = arith.subi %sign3A_92, %sign3A_95 : i32
    %sign3A_97 = arith.constant 0 : i32
    %sign3A_98 = arith.cmpi sgt, %jit3A_88, %sign3A_97 : i32
    %sign3A_99 = arith.extui %sign3A_98 : i1 to i32
    %sign3A_100 = arith.constant 0 : i32
    %sign3A_101 = arith.cmpi slt, %jit3A_88, %sign3A_100 : i32
    %sign3A_102 = arith.extui %sign3A_101 : i1 to i32
    %sign3A_103 = arith.subi %sign3A_99, %sign3A_102 : i32
    %ne3A_104 = arith.cmpi ne, %sign3A_96, %sign3A_103 : i32
    %rem3A_105 = arith.remsi %add3A_87, %jit3A_88 : i32
    %ne3A_106 = arith.constant 0 : i32
    %ne3A_107 = arith.cmpi ne, %rem3A_105, %ne3A_106 : i32
    %and3A_108 = arith.andi %ne3A_104, %ne3A_107 : i1
    %sub3A_109 = arith.constant 1 : i32
    %sub3A_110 = arith.subi %div3A_89, %sub3A_109 : i32
    %select_n3A_111 = arith.select %and3A_108, %sub3A_110, %div3A_89 : i32
    %multiple_of3A_112 = tpu.assume_multiple %select_n3A_111, 2 : i32
    %dma_start3A_113 = arith.constant 0 : i32
    %dma_start3A_114 = tpu.memref_slice %arg2[%multiple_of3A_112, %dma_start3A_113] : memref<25600x128xi32, #tpu.memory_space<hbm>> -> memref<2x128xi32, #tpu.memory_space<hbm>>
    %dma_start3A_115 = arith.constant 0 : i32
    %dma_start3A_116 = tpu.memref_slice %arg2[%multiple_of3A_112, %dma_start3A_115] : memref<25600x128xi32, #tpu.memory_space<hbm>> -> memref<2x128xi32, #tpu.memory_space<hbm>>
    tpu.enqueue_dma source(%dma_start3A_116 : memref<2x128xi32, #tpu.memory_space<hbm>>) target(%arg8 : memref<2x128xi32, #tpu.memory_space<vmem>>) target_semaphore(%arg16 : memref<!tpu.dma_semaphore, #tpu.memory_space<semaphore_mem>>)
    %add3A_117 = arith.constant 0 : i32
    %add3A_118 = arith.addi %mul3A_2, %add3A_117 : i32
    %jit3A_119 = arith.constant 128 : i32
    %div3A_120 = arith.divsi %add3A_118, %jit3A_119 : i32
    %sign3A_121 = arith.constant 0 : i32
    %sign3A_122 = arith.cmpi sgt, %add3A_118, %sign3A_121 : i32
    %sign3A_123 = arith.extui %sign3A_122 : i1 to i32
    %sign3A_124 = arith.constant 0 : i32
    %sign3A_125 = arith.cmpi slt, %add3A_118, %sign3A_124 : i32
    %sign3A_126 = arith.extui %sign3A_125 : i1 to i32
    %sign3A_127 = arith.subi %sign3A_123, %sign3A_126 : i32
    %sign3A_128 = arith.constant 0 : i32
    %sign3A_129 = arith.cmpi sgt, %jit3A_119, %sign3A_128 : i32
    %sign3A_130 = arith.extui %sign3A_129 : i1 to i32
    %sign3A_131 = arith.constant 0 : i32
    %sign3A_132 = arith.cmpi slt, %jit3A_119, %sign3A_131 : i32
    %sign3A_133 = arith.extui %sign3A_132 : i1 to i32
    %sign3A_134 = arith.subi %sign3A_130, %sign3A_133 : i32
    %ne3A_135 = arith.cmpi ne, %sign3A_127, %sign3A_134 : i32
    %rem3A_136 = arith.remsi %add3A_118, %jit3A_119 : i32
    %ne3A_137 = arith.constant 0 : i32
    %ne3A_138 = arith.cmpi ne, %rem3A_136, %ne3A_137 : i32
    %and3A_139 = arith.andi %ne3A_135, %ne3A_138 : i1
    %sub3A_140 = arith.constant 1 : i32
    %sub3A_141 = arith.subi %div3A_120, %sub3A_140 : i32
    %select_n3A_142 = arith.select %and3A_139, %sub3A_141, %div3A_120 : i32
    %multiple_of3A_143 = tpu.assume_multiple %select_n3A_142, 2 : i32
    %dma_wait3A = arith.constant 0 : i32
    %dma_wait3A_144 = tpu.memref_slice %arg2[%multiple_of3A_143, %dma_wait3A] : memref<25600x128xi32, #tpu.memory_space<hbm>> -> memref<2x128xi32, #tpu.memory_space<hbm>>
    %dma_wait3A_145 = arith.constant 0 : i32
    %dma_wait3A_146 = tpu.memref_slice %arg2[%multiple_of3A_143, %dma_wait3A_145] : memref<25600x128xi32, #tpu.memory_space<hbm>> -> memref<2x128xi32, #tpu.memory_space<hbm>>
    tpu.wait_dma2 semaphore(%arg13 : memref<!tpu.dma_semaphore, #tpu.memory_space<semaphore_mem>>) src(%dma_wait3A_146 : memref<2x128xi32, #tpu.memory_space<hbm>>) dst(%arg5 : memref<2x128xi32, #tpu.memory_space<vmem>>)
    %dma_start3A_147 = arith.constant 0 : i32
    %dma_start3A_148 = arith.constant 0 : i32
    %dma_start3A_149 = arith.constant 0 : i32
    %dma_start3A_150 = tpu.memref_slice %arg9[%dma_start3A_148, %dma_start3A_149] : memref<256x64xf32, #tpu.memory_space<vmem>> -> memref<128x64xf32, #tpu.memory_space<vmem>>
    %dma_start3A_151 = arith.constant 0 : i32
    %dma_start3A_152 = tpu.memref_slice %arg5[%dma_start3A_147, %dma_start3A_151] : memref<2x128xi32, #tpu.memory_space<vmem>> -> memref<1x128xi32, #tpu.memory_space<vmem>>
    %dma_start3A_153 = tpu.memref_squeeze %dma_start3A_152 : memref<1x128xi32, #tpu.memory_space<vmem>> -> memref<128xi32, #tpu.memory_space<vmem>>
    %dma_start3A_154 = arith.constant 0 : i32
    %dma_start3A_155 = arith.constant 0 : i32
    %dma_start3A_156 = tpu.memref_slice %arg3[%dma_start3A_154, %dma_start3A_155] : memref<1000000x64xf32, #tpu.memory_space<hbm>> -> memref<1000000x64xf32, #tpu.memory_space<hbm>>
    tpu.enqueue_indirect_dma source(%dma_start3A_156 : memref<1000000x64xf32, #tpu.memory_space<hbm>>) target(%dma_start3A_150 : memref<128x64xf32, #tpu.memory_space<vmem>>) offsets(%dma_start3A_153 : memref<128xi32, #tpu.memory_space<vmem>>) semaphore(%arg17 : memref<!tpu.dma_semaphore, #tpu.memory_space<semaphore_mem>>)
    %dma_start3A_157 = arith.constant 1 : i32
    %dma_start3A_158 = arith.constant 128 : i32
    %dma_start3A_159 = arith.constant 0 : i32
    %dma_start3A_160 = tpu.memref_slice %arg9[%dma_start3A_158, %dma_start3A_159] : memref<256x64xf32, #tpu.memory_space<vmem>> -> memref<128x64xf32, #tpu.memory_space<vmem>>
    %dma_start3A_161 = arith.constant 0 : i32
    %dma_start3A_162 = tpu.memref_slice %arg5[%dma_start3A_157, %dma_start3A_161] : memref<2x128xi32, #tpu.memory_space<vmem>> -> memref<1x128xi32, #tpu.memory_space<vmem>>
    %dma_start3A_163 = tpu.memref_squeeze %dma_start3A_162 : memref<1x128xi32, #tpu.memory_space<vmem>> -> memref<128xi32, #tpu.memory_space<vmem>>
    %dma_start3A_164 = arith.constant 0 : i32
    %dma_start3A_165 = arith.constant 0 : i32
    %dma_start3A_166 = tpu.memref_slice %arg3[%dma_start3A_164, %dma_start3A_165] : memref<1000000x64xf32, #tpu.memory_space<hbm>> -> memref<1000000x64xf32, #tpu.memory_space<hbm>>
    tpu.enqueue_indirect_dma source(%dma_start3A_166 : memref<1000000x64xf32, #tpu.memory_space<hbm>>) target(%dma_start3A_160 : memref<128x64xf32, #tpu.memory_space<vmem>>) offsets(%dma_start3A_163 : memref<128xi32, #tpu.memory_space<vmem>>) semaphore(%arg17 : memref<!tpu.dma_semaphore, #tpu.memory_space<semaphore_mem>>)
    %add3A_167 = arith.constant 256 : i32
    %add3A_168 = arith.addi %mul3A_2, %add3A_167 : i32
    %jit3A_169 = arith.constant 128 : i32
    %div3A_170 = arith.divsi %add3A_168, %jit3A_169 : i32
    %sign3A_171 = arith.constant 0 : i32
    %sign3A_172 = arith.cmpi sgt, %add3A_168, %sign3A_171 : i32
    %sign3A_173 = arith.extui %sign3A_172 : i1 to i32
    %sign3A_174 = arith.constant 0 : i32
    %sign3A_175 = arith.cmpi slt, %add3A_168, %sign3A_174 : i32
    %sign3A_176 = arith.extui %sign3A_175 : i1 to i32
    %sign3A_177 = arith.subi %sign3A_173, %sign3A_176 : i32
    %sign3A_178 = arith.constant 0 : i32
    %sign3A_179 = arith.cmpi sgt, %jit3A_169, %sign3A_178 : i32
    %sign3A_180 = arith.extui %sign3A_179 : i1 to i32
    %sign3A_181 = arith.constant 0 : i32
    %sign3A_182 = arith.cmpi slt, %jit3A_169, %sign3A_181 : i32
    %sign3A_183 = arith.extui %sign3A_182 : i1 to i32
    %sign3A_184 = arith.subi %sign3A_180, %sign3A_183 : i32
    %ne3A_185 = arith.cmpi ne, %sign3A_177, %sign3A_184 : i32
    %rem3A_186 = arith.remsi %add3A_168, %jit3A_169 : i32
    %ne3A_187 = arith.constant 0 : i32
    %ne3A_188 = arith.cmpi ne, %rem3A_186, %ne3A_187 : i32
    %and3A_189 = arith.andi %ne3A_185, %ne3A_188 : i1
    %sub3A_190 = arith.constant 1 : i32
    %sub3A_191 = arith.subi %div3A_170, %sub3A_190 : i32
    %select_n3A_192 = arith.select %and3A_189, %sub3A_191, %div3A_170 : i32
    %multiple_of3A_193 = tpu.assume_multiple %select_n3A_192, 2 : i32
    %dma_wait3A_194 = arith.constant 0 : i32
    %dma_wait3A_195 = tpu.memref_slice %arg2[%multiple_of3A_193, %dma_wait3A_194] : memref<25600x128xi32, #tpu.memory_space<hbm>> -> memref<2x128xi32, #tpu.memory_space<hbm>>
    %dma_wait3A_196 = arith.constant 0 : i32
    %dma_wait3A_197 = tpu.memref_slice %arg2[%multiple_of3A_193, %dma_wait3A_196] : memref<25600x128xi32, #tpu.memory_space<hbm>> -> memref<2x128xi32, #tpu.memory_space<hbm>>
    tpu.wait_dma2 semaphore(%arg14 : memref<!tpu.dma_semaphore, #tpu.memory_space<semaphore_mem>>) src(%dma_wait3A_197 : memref<2x128xi32, #tpu.memory_space<hbm>>) dst(%arg6 : memref<2x128xi32, #tpu.memory_space<vmem>>)
    %dma_start3A_198 = arith.constant 0 : i32
    %dma_start3A_199 = arith.constant 0 : i32
    %dma_start3A_200 = arith.constant 0 : i32
    %dma_start3A_201 = tpu.memref_slice %arg10[%dma_start3A_199, %dma_start3A_200] : memref<256x64xf32, #tpu.memory_space<vmem>> -> memref<128x64xf32, #tpu.memory_space<vmem>>
    %dma_start3A_202 = arith.constant 0 : i32
    %dma_start3A_203 = tpu.memref_slice %arg6[%dma_start3A_198, %dma_start3A_202] : memref<2x128xi32, #tpu.memory_space<vmem>> -> memref<1x128xi32, #tpu.memory_space<vmem>>
    %dma_start3A_204 = tpu.memref_squeeze %dma_start3A_203 : memref<1x128xi32, #tpu.memory_space<vmem>> -> memref<128xi32, #tpu.memory_space<vmem>>
    %dma_start3A_205 = arith.constant 0 : i32
    %dma_start3A_206 = arith.constant 0 : i32
    %dma_start3A_207 = tpu.memref_slice %arg3[%dma_start3A_205, %dma_start3A_206] : memref<1000000x64xf32, #tpu.memory_space<hbm>> -> memref<1000000x64xf32, #tpu.memory_space<hbm>>
    tpu.enqueue_indirect_dma source(%dma_start3A_207 : memref<1000000x64xf32, #tpu.memory_space<hbm>>) target(%dma_start3A_201 : memref<128x64xf32, #tpu.memory_space<vmem>>) offsets(%dma_start3A_204 : memref<128xi32, #tpu.memory_space<vmem>>) semaphore(%arg18 : memref<!tpu.dma_semaphore, #tpu.memory_space<semaphore_mem>>)
    %dma_start3A_208 = arith.constant 1 : i32
    %dma_start3A_209 = arith.constant 128 : i32
    %dma_start3A_210 = arith.constant 0 : i32
    %dma_start3A_211 = tpu.memref_slice %arg10[%dma_start3A_209, %dma_start3A_210] : memref<256x64xf32, #tpu.memory_space<vmem>> -> memref<128x64xf32, #tpu.memory_space<vmem>>
    %dma_start3A_212 = arith.constant 0 : i32
    %dma_start3A_213 = tpu.memref_slice %arg6[%dma_start3A_208, %dma_start3A_212] : memref<2x128xi32, #tpu.memory_space<vmem>> -> memref<1x128xi32, #tpu.memory_space<vmem>>
    %dma_start3A_214 = tpu.memref_squeeze %dma_start3A_213 : memref<1x128xi32, #tpu.memory_space<vmem>> -> memref<128xi32, #tpu.memory_space<vmem>>
    %dma_start3A_215 = arith.constant 0 : i32
    %dma_start3A_216 = arith.constant 0 : i32
    %dma_start3A_217 = tpu.memref_slice %arg3[%dma_start3A_215, %dma_start3A_216] : memref<1000000x64xf32, #tpu.memory_space<hbm>> -> memref<1000000x64xf32, #tpu.memory_space<hbm>>
    tpu.enqueue_indirect_dma source(%dma_start3A_217 : memref<1000000x64xf32, #tpu.memory_space<hbm>>) target(%dma_start3A_211 : memref<128x64xf32, #tpu.memory_space<vmem>>) offsets(%dma_start3A_214 : memref<128xi32, #tpu.memory_space<vmem>>) semaphore(%arg18 : memref<!tpu.dma_semaphore, #tpu.memory_space<semaphore_mem>>)
    %add3A_218 = arith.constant 512 : i32
    %add3A_219 = arith.addi %mul3A_2, %add3A_218 : i32
    %jit3A_220 = arith.constant 128 : i32
    %div3A_221 = arith.divsi %add3A_219, %jit3A_220 : i32
    %sign3A_222 = arith.constant 0 : i32
    %sign3A_223 = arith.cmpi sgt, %add3A_219, %sign3A_222 : i32
    %sign3A_224 = arith.extui %sign3A_223 : i1 to i32
    %sign3A_225 = arith.constant 0 : i32
    %sign3A_226 = arith.cmpi slt, %add3A_219, %sign3A_225 : i32
    %sign3A_227 = arith.extui %sign3A_226 : i1 to i32
    %sign3A_228 = arith.subi %sign3A_224, %sign3A_227 : i32
    %sign3A_229 = arith.constant 0 : i32
    %sign3A_230 = arith.cmpi sgt, %jit3A_220, %sign3A_229 : i32
    %sign3A_231 = arith.extui %sign3A_230 : i1 to i32
    %sign3A_232 = arith.constant 0 : i32
    %sign3A_233 = arith.cmpi slt, %jit3A_220, %sign3A_232 : i32
    %sign3A_234 = arith.extui %sign3A_233 : i1 to i32
    %sign3A_235 = arith.subi %sign3A_231, %sign3A_234 : i32
    %ne3A_236 = arith.cmpi ne, %sign3A_228, %sign3A_235 : i32
    %rem3A_237 = arith.remsi %add3A_219, %jit3A_220 : i32
    %ne3A_238 = arith.constant 0 : i32
    %ne3A_239 = arith.cmpi ne, %rem3A_237, %ne3A_238 : i32
    %and3A_240 = arith.andi %ne3A_236, %ne3A_239 : i1
    %sub3A_241 = arith.constant 1 : i32
    %sub3A_242 = arith.subi %div3A_221, %sub3A_241 : i32
    %select_n3A_243 = arith.select %and3A_240, %sub3A_242, %div3A_221 : i32
    %multiple_of3A_244 = tpu.assume_multiple %select_n3A_243, 2 : i32
    %dma_wait3A_245 = arith.constant 0 : i32
    %dma_wait3A_246 = tpu.memref_slice %arg2[%multiple_of3A_244, %dma_wait3A_245] : memref<25600x128xi32, #tpu.memory_space<hbm>> -> memref<2x128xi32, #tpu.memory_space<hbm>>
    %dma_wait3A_247 = arith.constant 0 : i32
    %dma_wait3A_248 = tpu.memref_slice %arg2[%multiple_of3A_244, %dma_wait3A_247] : memref<25600x128xi32, #tpu.memory_space<hbm>> -> memref<2x128xi32, #tpu.memory_space<hbm>>
    tpu.wait_dma2 semaphore(%arg15 : memref<!tpu.dma_semaphore, #tpu.memory_space<semaphore_mem>>) src(%dma_wait3A_248 : memref<2x128xi32, #tpu.memory_space<hbm>>) dst(%arg7 : memref<2x128xi32, #tpu.memory_space<vmem>>)
    %dma_start3A_249 = arith.constant 0 : i32
    %dma_start3A_250 = arith.constant 0 : i32
    %dma_start3A_251 = arith.constant 0 : i32
    %dma_start3A_252 = tpu.memref_slice %arg11[%dma_start3A_250, %dma_start3A_251] : memref<256x64xf32, #tpu.memory_space<vmem>> -> memref<128x64xf32, #tpu.memory_space<vmem>>
    %dma_start3A_253 = arith.constant 0 : i32
    %dma_start3A_254 = tpu.memref_slice %arg7[%dma_start3A_249, %dma_start3A_253] : memref<2x128xi32, #tpu.memory_space<vmem>> -> memref<1x128xi32, #tpu.memory_space<vmem>>
    %dma_start3A_255 = tpu.memref_squeeze %dma_start3A_254 : memref<1x128xi32, #tpu.memory_space<vmem>> -> memref<128xi32, #tpu.memory_space<vmem>>
    %dma_start3A_256 = arith.constant 0 : i32
    %dma_start3A_257 = arith.constant 0 : i32
    %dma_start3A_258 = tpu.memref_slice %arg3[%dma_start3A_256, %dma_start3A_257] : memref<1000000x64xf32, #tpu.memory_space<hbm>> -> memref<1000000x64xf32, #tpu.memory_space<hbm>>
    tpu.enqueue_indirect_dma source(%dma_start3A_258 : memref<1000000x64xf32, #tpu.memory_space<hbm>>) target(%dma_start3A_252 : memref<128x64xf32, #tpu.memory_space<vmem>>) offsets(%dma_start3A_255 : memref<128xi32, #tpu.memory_space<vmem>>) semaphore(%arg19 : memref<!tpu.dma_semaphore, #tpu.memory_space<semaphore_mem>>)
    %dma_start3A_259 = arith.constant 1 : i32
    %dma_start3A_260 = arith.constant 128 : i32
    %dma_start3A_261 = arith.constant 0 : i32
    %dma_start3A_262 = tpu.memref_slice %arg11[%dma_start3A_260, %dma_start3A_261] : memref<256x64xf32, #tpu.memory_space<vmem>> -> memref<128x64xf32, #tpu.memory_space<vmem>>
    %dma_start3A_263 = arith.constant 0 : i32
    %dma_start3A_264 = tpu.memref_slice %arg7[%dma_start3A_259, %dma_start3A_263] : memref<2x128xi32, #tpu.memory_space<vmem>> -> memref<1x128xi32, #tpu.memory_space<vmem>>
    %dma_start3A_265 = tpu.memref_squeeze %dma_start3A_264 : memref<1x128xi32, #tpu.memory_space<vmem>> -> memref<128xi32, #tpu.memory_space<vmem>>
    %dma_start3A_266 = arith.constant 0 : i32
    %dma_start3A_267 = arith.constant 0 : i32
    %dma_start3A_268 = tpu.memref_slice %arg3[%dma_start3A_266, %dma_start3A_267] : memref<1000000x64xf32, #tpu.memory_space<hbm>> -> memref<1000000x64xf32, #tpu.memory_space<hbm>>
    tpu.enqueue_indirect_dma source(%dma_start3A_268 : memref<1000000x64xf32, #tpu.memory_space<hbm>>) target(%dma_start3A_262 : memref<128x64xf32, #tpu.memory_space<vmem>>) offsets(%dma_start3A_265 : memref<128xi32, #tpu.memory_space<vmem>>) semaphore(%arg19 : memref<!tpu.dma_semaphore, #tpu.memory_space<semaphore_mem>>)
    %scan3A = arith.constant 0 : i32
    %scan3A_269 = arith.constant 100 : i32
    %scan3A_270 = arith.addi %scan3A, %scan3A_269 : i32
    %scan3A_271 = arith.constant 1 : i32
    scf.for %scan3A_301 = %scan3A to %scan3A_270 step %scan3A_271  : i32 {
      %mul3A_302 = arith.constant 4 : i32
      %mul3A_303 = arith.muli %scan3A_301, %mul3A_302 : i32
      %add3A_304 = arith.constant 0 : i32
      %add3A_305 = arith.addi %add3A_304, %mul3A_303 : i32
      %add3A_306 = arith.constant 0 : i32
      %add3A_307 = arith.addi %add3A_305, %add3A_306 : i32
      %add3A_308 = arith.constant 4 : i32
      %add3A_309 = arith.addi %add3A_307, %add3A_308 : i32
      %sub3A_310 = arith.constant 1 : i32
      %sub3A_311 = arith.subi %add3A_309, %sub3A_310 : i32
      %lt3A = arith.constant 400 : i32
      %lt3A_312 = arith.cmpi slt, %sub3A_311, %lt3A : i32
      %convert_element_type3A = arith.extui %lt3A_312 : i1 to i32
      %cond3A = arith.constant 0 : i32
      %cond3A_313 = arith.cmpi ne, %convert_element_type3A, %cond3A : i32
      scf.if %cond3A_313 {
        %add3A_487 = arith.constant 4 : i32
        %add3A_488 = arith.addi %add3A_307, %add3A_487 : i32
        %sub3A_489 = arith.constant 1 : i32
        %sub3A_490 = arith.subi %add3A_488, %sub3A_489 : i32
        %mul3A_491 = arith.constant 256 : i32
        %mul3A_492 = arith.muli %sub3A_490, %mul3A_491 : i32
        %add3A_493 = arith.addi %mul3A_2, %mul3A_492 : i32
        %jit3A_494 = arith.constant 128 : i32
        %div3A_495 = arith.divsi %add3A_493, %jit3A_494 : i32
        %sign3A_496 = arith.constant 0 : i32
        %sign3A_497 = arith.cmpi sgt, %add3A_493, %sign3A_496 : i32
        %sign3A_498 = arith.extui %sign3A_497 : i1 to i32
        %sign3A_499 = arith.constant 0 : i32
        %sign3A_500 = arith.cmpi slt, %add3A_493, %sign3A_499 : i32
        %sign3A_501 = arith.extui %sign3A_500 : i1 to i32
        %sign3A_502 = arith.subi %sign3A_498, %sign3A_501 : i32
        %sign3A_503 = arith.constant 0 : i32
        %sign3A_504 = arith.cmpi sgt, %jit3A_494, %sign3A_503 : i32
        %sign3A_505 = arith.extui %sign3A_504 : i1 to i32
        %sign3A_506 = arith.constant 0 : i32
        %sign3A_507 = arith.cmpi slt, %jit3A_494, %sign3A_506 : i32
        %sign3A_508 = arith.extui %sign3A_507 : i1 to i32
        %sign3A_509 = arith.subi %sign3A_505, %sign3A_508 : i32
        %ne3A_510 = arith.cmpi ne, %sign3A_502, %sign3A_509 : i32
        %rem3A_511 = arith.remsi %add3A_493, %jit3A_494 : i32
        %ne3A_512 = arith.constant 0 : i32
        %ne3A_513 = arith.cmpi ne, %rem3A_511, %ne3A_512 : i32
        %and3A_514 = arith.andi %ne3A_510, %ne3A_513 : i1
        %sub3A_515 = arith.constant 1 : i32
        %sub3A_516 = arith.subi %div3A_495, %sub3A_515 : i32
        %select_n3A_517 = arith.select %and3A_514, %sub3A_516, %div3A_495 : i32
        %multiple_of3A_518 = tpu.assume_multiple %select_n3A_517, 2 : i32
        %dma_wait3A_519 = arith.constant 0 : i32
        %dma_wait3A_520 = tpu.memref_slice %arg2[%multiple_of3A_518, %dma_wait3A_519] : memref<25600x128xi32, #tpu.memory_space<hbm>> -> memref<2x128xi32, #tpu.memory_space<hbm>>
        %dma_wait3A_521 = arith.constant 0 : i32
        %dma_wait3A_522 = tpu.memref_slice %arg2[%multiple_of3A_518, %dma_wait3A_521] : memref<25600x128xi32, #tpu.memory_space<hbm>> -> memref<2x128xi32, #tpu.memory_space<hbm>>
        tpu.wait_dma2 semaphore(%arg16 : memref<!tpu.dma_semaphore, #tpu.memory_space<semaphore_mem>>) src(%dma_wait3A_522 : memref<2x128xi32, #tpu.memory_space<hbm>>) dst(%arg8 : memref<2x128xi32, #tpu.memory_space<vmem>>)
        %ge3A = arith.constant 1 : i32
        %ge3A_523 = arith.cmpi sge, %add3A_307, %ge3A : i32
        %convert_element_type3A_524 = arith.extui %ge3A_523 : i1 to i32
        %cond3A_525 = arith.constant 0 : i32
        %cond3A_526 = arith.cmpi ne, %convert_element_type3A_524, %cond3A_525 : i32
        scf.if %cond3A_526 {
          %sub3A_547 = arith.constant 1 : i32
          %sub3A_548 = arith.subi %add3A_307, %sub3A_547 : i32
          %mul3A_549 = arith.constant 256 : i32
          %mul3A_550 = arith.muli %sub3A_548, %mul3A_549 : i32
          %add3A_551 = arith.addi %mul3A_2, %mul3A_550 : i32
          %multiple_of3A_552 = tpu.assume_multiple %add3A_551, 256 : i32
          %dma_wait3A_553 = arith.constant 0 : i32
          %dma_wait3A_554 = tpu.memref_slice %arg4[%multiple_of3A_552, %dma_wait3A_553] : memref<3276800x64xf32, #tpu.memory_space<hbm>> -> memref<256x64xf32, #tpu.memory_space<hbm>>
          %dma_wait3A_555 = arith.constant 0 : i32
          %dma_wait3A_556 = tpu.memref_slice %arg4[%multiple_of3A_552, %dma_wait3A_555] : memref<3276800x64xf32, #tpu.memory_space<hbm>> -> memref<256x64xf32, #tpu.memory_space<hbm>>
          tpu.wait_dma2 semaphore(%arg24 : memref<!tpu.dma_semaphore, #tpu.memory_space<semaphore_mem>>) src(%arg12 : memref<256x64xf32, #tpu.memory_space<vmem>>) dst(%dma_wait3A_556 : memref<256x64xf32, #tpu.memory_space<hbm>>)
        } else {
        }
        %dma_start3A_527 = arith.constant 0 : i32
        %dma_start3A_528 = arith.constant 0 : i32
        %dma_start3A_529 = arith.constant 0 : i32
        %dma_start3A_530 = tpu.memref_slice %arg12[%dma_start3A_528, %dma_start3A_529] : memref<256x64xf32, #tpu.memory_space<vmem>> -> memref<128x64xf32, #tpu.memory_space<vmem>>
        %dma_start3A_531 = arith.constant 0 : i32
        %dma_start3A_532 = tpu.memref_slice %arg8[%dma_start3A_527, %dma_start3A_531] : memref<2x128xi32, #tpu.memory_space<vmem>> -> memref<1x128xi32, #tpu.memory_space<vmem>>
        %dma_start3A_533 = tpu.memref_squeeze %dma_start3A_532 : memref<1x128xi32, #tpu.memory_space<vmem>> -> memref<128xi32, #tpu.memory_space<vmem>>
        %dma_start3A_534 = arith.constant 0 : i32
        %dma_start3A_535 = arith.constant 0 : i32
        %dma_start3A_536 = tpu.memref_slice %arg3[%dma_start3A_534, %dma_start3A_535] : memref<1000000x64xf32, #tpu.memory_space<hbm>> -> memref<1000000x64xf32, #tpu.memory_space<hbm>>
        tpu.enqueue_indirect_dma source(%dma_start3A_536 : memref<1000000x64xf32, #tpu.memory_space<hbm>>) target(%dma_start3A_530 : memref<128x64xf32, #tpu.memory_space<vmem>>) offsets(%dma_start3A_533 : memref<128xi32, #tpu.memory_space<vmem>>) semaphore(%arg20 : memref<!tpu.dma_semaphore, #tpu.memory_space<semaphore_mem>>)
        %dma_start3A_537 = arith.constant 1 : i32
        %dma_start3A_538 = arith.constant 128 : i32
        %dma_start3A_539 = arith.constant 0 : i32
        %dma_start3A_540 = tpu.memref_slice %arg12[%dma_start3A_538, %dma_start3A_539] : memref<256x64xf32, #tpu.memory_space<vmem>> -> memref<128x64xf32, #tpu.memory_space<vmem>>
        %dma_start3A_541 = arith.constant 0 : i32
        %dma_start3A_542 = tpu.memref_slice %arg8[%dma_start3A_537, %dma_start3A_541] : memref<2x128xi32, #tpu.memory_space<vmem>> -> memref<1x128xi32, #tpu.memory_space<vmem>>
        %dma_start3A_543 = tpu.memref_squeeze %dma_start3A_542 : memref<1x128xi32, #tpu.memory_space<vmem>> -> memref<128xi32, #tpu.memory_space<vmem>>
        %dma_start3A_544 = arith.constant 0 : i32
        %dma_start3A_545 = arith.constant 0 : i32
        %dma_start3A_546 = tpu.memref_slice %arg3[%dma_start3A_544, %dma_start3A_545] : memref<1000000x64xf32, #tpu.memory_space<hbm>> -> memref<1000000x64xf32, #tpu.memory_space<hbm>>
        tpu.enqueue_indirect_dma source(%dma_start3A_546 : memref<1000000x64xf32, #tpu.memory_space<hbm>>) target(%dma_start3A_540 : memref<128x64xf32, #tpu.memory_space<vmem>>) offsets(%dma_start3A_543 : memref<128xi32, #tpu.memory_space<vmem>>) semaphore(%arg20 : memref<!tpu.dma_semaphore, #tpu.memory_space<semaphore_mem>>)
      } else {
      }
      %dma_wait3A_314 = arith.constant 0 : i32
      %dma_wait3A_315 = arith.constant 0 : i32
      %dma_wait3A_316 = arith.constant 0 : i32
      %dma_wait3A_317 = tpu.memref_slice %arg9[%dma_wait3A_315, %dma_wait3A_316] : memref<256x64xf32, #tpu.memory_space<vmem>> -> memref<128x64xf32, #tpu.memory_space<vmem>>
      %dma_wait3A_318 = arith.constant 0 : i32
      %dma_wait3A_319 = tpu.memref_slice %arg5[%dma_wait3A_314, %dma_wait3A_318] : memref<2x128xi32, #tpu.memory_space<vmem>> -> memref<1x128xi32, #tpu.memory_space<vmem>>
      %dma_wait3A_320 = tpu.memref_squeeze %dma_wait3A_319 : memref<1x128xi32, #tpu.memory_space<vmem>> -> memref<128xi32, #tpu.memory_space<vmem>>
      %dma_wait3A_321 = arith.constant 0 : i32
      %dma_wait3A_322 = arith.constant 0 : i32
      %dma_wait3A_323 = tpu.memref_slice %arg3[%dma_wait3A_321, %dma_wait3A_322] : memref<1000000x64xf32, #tpu.memory_space<hbm>> -> memref<1000000x64xf32, #tpu.memory_space<hbm>>
      tpu.wait_indirect_dma semaphore(%arg17 : memref<!tpu.dma_semaphore, #tpu.memory_space<semaphore_mem>>) src(%dma_wait3A_323 : memref<1000000x64xf32, #tpu.memory_space<hbm>>) dst(%dma_wait3A_317 : memref<128x64xf32, #tpu.memory_space<vmem>>)
      %dma_wait3A_324 = arith.constant 1 : i32
      %dma_wait3A_325 = arith.constant 128 : i32
      %dma_wait3A_326 = arith.constant 0 : i32
      %dma_wait3A_327 = tpu.memref_slice %arg9[%dma_wait3A_325, %dma_wait3A_326] : memref<256x64xf32, #tpu.memory_space<vmem>> -> memref<128x64xf32, #tpu.memory_space<vmem>>
      %dma_wait3A_328 = arith.constant 0 : i32
      %dma_wait3A_329 = tpu.memref_slice %arg5[%dma_wait3A_324, %dma_wait3A_328] : memref<2x128xi32, #tpu.memory_space<vmem>> -> memref<1x128xi32, #tpu.memory_space<vmem>>
      %dma_wait3A_330 = tpu.memref_squeeze %dma_wait3A_329 : memref<1x128xi32, #tpu.memory_space<vmem>> -> memref<128xi32, #tpu.memory_space<vmem>>
      %dma_wait3A_331 = arith.constant 0 : i32
      %dma_wait3A_332 = arith.constant 0 : i32
      %dma_wait3A_333 = tpu.memref_slice %arg3[%dma_wait3A_331, %dma_wait3A_332] : memref<1000000x64xf32, #tpu.memory_space<hbm>> -> memref<1000000x64xf32, #tpu.memory_space<hbm>>
      tpu.wait_indirect_dma semaphore(%arg17 : memref<!tpu.dma_semaphore, #tpu.memory_space<semaphore_mem>>) src(%dma_wait3A_333 : memref<1000000x64xf32, #tpu.memory_space<hbm>>) dst(%dma_wait3A_327 : memref<128x64xf32, #tpu.memory_space<vmem>>)
      %mul3A_334 = arith.constant 256 : i32
      %mul3A_335 = arith.muli %add3A_307, %mul3A_334 : i32
      %add3A_336 = arith.addi %mul3A_2, %mul3A_335 : i32
      %multiple_of3A_337 = tpu.assume_multiple %add3A_336, 256 : i32
      %dma_start3A_338 = arith.constant 0 : i32
      %dma_start3A_339 = tpu.memref_slice %arg4[%multiple_of3A_337, %dma_start3A_338] : memref<3276800x64xf32, #tpu.memory_space<hbm>> -> memref<256x64xf32, #tpu.memory_space<hbm>>
      %dma_start3A_340 = arith.constant 0 : i32
      %dma_start3A_341 = tpu.memref_slice %arg4[%multiple_of3A_337, %dma_start3A_340] : memref<3276800x64xf32, #tpu.memory_space<hbm>> -> memref<256x64xf32, #tpu.memory_space<hbm>>
      tpu.enqueue_dma source(%arg9 : memref<256x64xf32, #tpu.memory_space<vmem>>) target(%dma_start3A_341 : memref<256x64xf32, #tpu.memory_space<hbm>>) target_semaphore(%arg21 : memref<!tpu.dma_semaphore, #tpu.memory_space<semaphore_mem>>)
      %add3A_342 = arith.constant 4 : i32
      %add3A_343 = arith.addi %add3A_307, %add3A_342 : i32
      %lt3A_344 = arith.constant 400 : i32
      %lt3A_345 = arith.cmpi slt, %add3A_343, %lt3A_344 : i32
      %convert_element_type3A_346 = arith.extui %lt3A_345 : i1 to i32
      %cond3A_347 = arith.constant 0 : i32
      %cond3A_348 = arith.cmpi ne, %convert_element_type3A_346, %cond3A_347 : i32
      scf.if %cond3A_348 {
        %add3A_487 = arith.constant 4 : i32
        %add3A_488 = arith.addi %add3A_307, %add3A_487 : i32
        %mul3A_489 = arith.constant 256 : i32
        %mul3A_490 = arith.muli %add3A_488, %mul3A_489 : i32
        %add3A_491 = arith.addi %mul3A_2, %mul3A_490 : i32
        %jit3A_492 = arith.constant 128 : i32
        %div3A_493 = arith.divsi %add3A_491, %jit3A_492 : i32
        %sign3A_494 = arith.constant 0 : i32
        %sign3A_495 = arith.cmpi sgt, %add3A_491, %sign3A_494 : i32
        %sign3A_496 = arith.extui %sign3A_495 : i1 to i32
        %sign3A_497 = arith.constant 0 : i32
        %sign3A_498 = arith.cmpi slt, %add3A_491, %sign3A_497 : i32
        %sign3A_499 = arith.extui %sign3A_498 : i1 to i32
        %sign3A_500 = arith.subi %sign3A_496, %sign3A_499 : i32
        %sign3A_501 = arith.constant 0 : i32
        %sign3A_502 = arith.cmpi sgt, %jit3A_492, %sign3A_501 : i32
        %sign3A_503 = arith.extui %sign3A_502 : i1 to i32
        %sign3A_504 = arith.constant 0 : i32
        %sign3A_505 = arith.cmpi slt, %jit3A_492, %sign3A_504 : i32
        %sign3A_506 = arith.extui %sign3A_505 : i1 to i32
        %sign3A_507 = arith.subi %sign3A_503, %sign3A_506 : i32
        %ne3A_508 = arith.cmpi ne, %sign3A_500, %sign3A_507 : i32
        %rem3A_509 = arith.remsi %add3A_491, %jit3A_492 : i32
        %ne3A_510 = arith.constant 0 : i32
        %ne3A_511 = arith.cmpi ne, %rem3A_509, %ne3A_510 : i32
        %and3A_512 = arith.andi %ne3A_508, %ne3A_511 : i1
        %sub3A_513 = arith.constant 1 : i32
        %sub3A_514 = arith.subi %div3A_493, %sub3A_513 : i32
        %select_n3A_515 = arith.select %and3A_512, %sub3A_514, %div3A_493 : i32
        %multiple_of3A_516 = tpu.assume_multiple %select_n3A_515, 2 : i32
        %dma_start3A_517 = arith.constant 0 : i32
        %dma_start3A_518 = tpu.memref_slice %arg2[%multiple_of3A_516, %dma_start3A_517] : memref<25600x128xi32, #tpu.memory_space<hbm>> -> memref<2x128xi32, #tpu.memory_space<hbm>>
        %dma_start3A_519 = arith.constant 0 : i32
        %dma_start3A_520 = tpu.memref_slice %arg2[%multiple_of3A_516, %dma_start3A_519] : memref<25600x128xi32, #tpu.memory_space<hbm>> -> memref<2x128xi32, #tpu.memory_space<hbm>>
        tpu.enqueue_dma source(%dma_start3A_520 : memref<2x128xi32, #tpu.memory_space<hbm>>) target(%arg5 : memref<2x128xi32, #tpu.memory_space<vmem>>) target_semaphore(%arg13 : memref<!tpu.dma_semaphore, #tpu.memory_space<semaphore_mem>>)
      } else {
      }
      %add3A_349 = arith.constant 1 : i32
      %add3A_350 = arith.addi %add3A_305, %add3A_349 : i32
      %add3A_351 = arith.constant 4 : i32
      %add3A_352 = arith.addi %add3A_350, %add3A_351 : i32
      %sub3A_353 = arith.constant 1 : i32
      %sub3A_354 = arith.subi %add3A_352, %sub3A_353 : i32
      %lt3A_355 = arith.constant 400 : i32
      %lt3A_356 = arith.cmpi slt, %sub3A_354, %lt3A_355 : i32
      %convert_element_type3A_357 = arith.extui %lt3A_356 : i1 to i32
      %cond3A_358 = arith.constant 0 : i32
      %cond3A_359 = arith.cmpi ne, %convert_element_type3A_357, %cond3A_358 : i32
      scf.if %cond3A_359 {
        %add3A_487 = arith.constant 4 : i32
        %add3A_488 = arith.addi %add3A_350, %add3A_487 : i32
        %sub3A_489 = arith.constant 1 : i32
        %sub3A_490 = arith.subi %add3A_488, %sub3A_489 : i32
        %mul3A_491 = arith.constant 256 : i32
        %mul3A_492 = arith.muli %sub3A_490, %mul3A_491 : i32
        %add3A_493 = arith.addi %mul3A_2, %mul3A_492 : i32
        %jit3A_494 = arith.constant 128 : i32
        %div3A_495 = arith.divsi %add3A_493, %jit3A_494 : i32
        %sign3A_496 = arith.constant 0 : i32
        %sign3A_497 = arith.cmpi sgt, %add3A_493, %sign3A_496 : i32
        %sign3A_498 = arith.extui %sign3A_497 : i1 to i32
        %sign3A_499 = arith.constant 0 : i32
        %sign3A_500 = arith.cmpi slt, %add3A_493, %sign3A_499 : i32
        %sign3A_501 = arith.extui %sign3A_500 : i1 to i32
        %sign3A_502 = arith.subi %sign3A_498, %sign3A_501 : i32
        %sign3A_503 = arith.constant 0 : i32
        %sign3A_504 = arith.cmpi sgt, %jit3A_494, %sign3A_503 : i32
        %sign3A_505 = arith.extui %sign3A_504 : i1 to i32
        %sign3A_506 = arith.constant 0 : i32
        %sign3A_507 = arith.cmpi slt, %jit3A_494, %sign3A_506 : i32
        %sign3A_508 = arith.extui %sign3A_507 : i1 to i32
        %sign3A_509 = arith.subi %sign3A_505, %sign3A_508 : i32
        %ne3A_510 = arith.cmpi ne, %sign3A_502, %sign3A_509 : i32
        %rem3A_511 = arith.remsi %add3A_493, %jit3A_494 : i32
        %ne3A_512 = arith.constant 0 : i32
        %ne3A_513 = arith.cmpi ne, %rem3A_511, %ne3A_512 : i32
        %and3A_514 = arith.andi %ne3A_510, %ne3A_513 : i1
        %sub3A_515 = arith.constant 1 : i32
        %sub3A_516 = arith.subi %div3A_495, %sub3A_515 : i32
        %select_n3A_517 = arith.select %and3A_514, %sub3A_516, %div3A_495 : i32
        %multiple_of3A_518 = tpu.assume_multiple %select_n3A_517, 2 : i32
        %dma_wait3A_519 = arith.constant 0 : i32
        %dma_wait3A_520 = tpu.memref_slice %arg2[%multiple_of3A_518, %dma_wait3A_519] : memref<25600x128xi32, #tpu.memory_space<hbm>> -> memref<2x128xi32, #tpu.memory_space<hbm>>
        %dma_wait3A_521 = arith.constant 0 : i32
        %dma_wait3A_522 = tpu.memref_slice %arg2[%multiple_of3A_518, %dma_wait3A_521] : memref<25600x128xi32, #tpu.memory_space<hbm>> -> memref<2x128xi32, #tpu.memory_space<hbm>>
        tpu.wait_dma2 semaphore(%arg13 : memref<!tpu.dma_semaphore, #tpu.memory_space<semaphore_mem>>) src(%dma_wait3A_522 : memref<2x128xi32, #tpu.memory_space<hbm>>) dst(%arg5 : memref<2x128xi32, #tpu.memory_space<vmem>>)
        %ge3A = arith.constant 1 : i32
        %ge3A_523 = arith.cmpi sge, %add3A_350, %ge3A : i32
        %convert_element_type3A_524 = arith.extui %ge3A_523 : i1 to i32
        %cond3A_525 = arith.constant 0 : i32
        %cond3A_526 = arith.cmpi ne, %convert_element_type3A_524, %cond3A_525 : i32
        scf.if %cond3A_526 {
          %sub3A_547 = arith.constant 1 : i32
          %sub3A_548 = arith.subi %add3A_350, %sub3A_547 : i32
          %mul3A_549 = arith.constant 256 : i32
          %mul3A_550 = arith.muli %sub3A_548, %mul3A_549 : i32
          %add3A_551 = arith.addi %mul3A_2, %mul3A_550 : i32
          %multiple_of3A_552 = tpu.assume_multiple %add3A_551, 256 : i32
          %dma_wait3A_553 = arith.constant 0 : i32
          %dma_wait3A_554 = tpu.memref_slice %arg4[%multiple_of3A_552, %dma_wait3A_553] : memref<3276800x64xf32, #tpu.memory_space<hbm>> -> memref<256x64xf32, #tpu.memory_space<hbm>>
          %dma_wait3A_555 = arith.constant 0 : i32
          %dma_wait3A_556 = tpu.memref_slice %arg4[%multiple_of3A_552, %dma_wait3A_555] : memref<3276800x64xf32, #tpu.memory_space<hbm>> -> memref<256x64xf32, #tpu.memory_space<hbm>>
          tpu.wait_dma2 semaphore(%arg21 : memref<!tpu.dma_semaphore, #tpu.memory_space<semaphore_mem>>) src(%arg9 : memref<256x64xf32, #tpu.memory_space<vmem>>) dst(%dma_wait3A_556 : memref<256x64xf32, #tpu.memory_space<hbm>>)
        } else {
        }
        %dma_start3A_527 = arith.constant 0 : i32
        %dma_start3A_528 = arith.constant 0 : i32
        %dma_start3A_529 = arith.constant 0 : i32
        %dma_start3A_530 = tpu.memref_slice %arg9[%dma_start3A_528, %dma_start3A_529] : memref<256x64xf32, #tpu.memory_space<vmem>> -> memref<128x64xf32, #tpu.memory_space<vmem>>
        %dma_start3A_531 = arith.constant 0 : i32
        %dma_start3A_532 = tpu.memref_slice %arg5[%dma_start3A_527, %dma_start3A_531] : memref<2x128xi32, #tpu.memory_space<vmem>> -> memref<1x128xi32, #tpu.memory_space<vmem>>
        %dma_start3A_533 = tpu.memref_squeeze %dma_start3A_532 : memref<1x128xi32, #tpu.memory_space<vmem>> -> memref<128xi32, #tpu.memory_space<vmem>>
        %dma_start3A_534 = arith.constant 0 : i32
        %dma_start3A_535 = arith.constant 0 : i32
        %dma_start3A_536 = tpu.memref_slice %arg3[%dma_start3A_534, %dma_start3A_535] : memref<1000000x64xf32, #tpu.memory_space<hbm>> -> memref<1000000x64xf32, #tpu.memory_space<hbm>>
        tpu.enqueue_indirect_dma source(%dma_start3A_536 : memref<1000000x64xf32, #tpu.memory_space<hbm>>) target(%dma_start3A_530 : memref<128x64xf32, #tpu.memory_space<vmem>>) offsets(%dma_start3A_533 : memref<128xi32, #tpu.memory_space<vmem>>) semaphore(%arg17 : memref<!tpu.dma_semaphore, #tpu.memory_space<semaphore_mem>>)
        %dma_start3A_537 = arith.constant 1 : i32
        %dma_start3A_538 = arith.constant 128 : i32
        %dma_start3A_539 = arith.constant 0 : i32
        %dma_start3A_540 = tpu.memref_slice %arg9[%dma_start3A_538, %dma_start3A_539] : memref<256x64xf32, #tpu.memory_space<vmem>> -> memref<128x64xf32, #tpu.memory_space<vmem>>
        %dma_start3A_541 = arith.constant 0 : i32
        %dma_start3A_542 = tpu.memref_slice %arg5[%dma_start3A_537, %dma_start3A_541] : memref<2x128xi32, #tpu.memory_space<vmem>> -> memref<1x128xi32, #tpu.memory_space<vmem>>
        %dma_start3A_543 = tpu.memref_squeeze %dma_start3A_542 : memref<1x128xi32, #tpu.memory_space<vmem>> -> memref<128xi32, #tpu.memory_space<vmem>>
        %dma_start3A_544 = arith.constant 0 : i32
        %dma_start3A_545 = arith.constant 0 : i32
        %dma_start3A_546 = tpu.memref_slice %arg3[%dma_start3A_544, %dma_start3A_545] : memref<1000000x64xf32, #tpu.memory_space<hbm>> -> memref<1000000x64xf32, #tpu.memory_space<hbm>>
        tpu.enqueue_indirect_dma source(%dma_start3A_546 : memref<1000000x64xf32, #tpu.memory_space<hbm>>) target(%dma_start3A_540 : memref<128x64xf32, #tpu.memory_space<vmem>>) offsets(%dma_start3A_543 : memref<128xi32, #tpu.memory_space<vmem>>) semaphore(%arg17 : memref<!tpu.dma_semaphore, #tpu.memory_space<semaphore_mem>>)
      } else {
      }
      %dma_wait3A_360 = arith.constant 0 : i32
      %dma_wait3A_361 = arith.constant 0 : i32
      %dma_wait3A_362 = arith.constant 0 : i32
      %dma_wait3A_363 = tpu.memref_slice %arg10[%dma_wait3A_361, %dma_wait3A_362] : memref<256x64xf32, #tpu.memory_space<vmem>> -> memref<128x64xf32, #tpu.memory_space<vmem>>
      %dma_wait3A_364 = arith.constant 0 : i32
      %dma_wait3A_365 = tpu.memref_slice %arg6[%dma_wait3A_360, %dma_wait3A_364] : memref<2x128xi32, #tpu.memory_space<vmem>> -> memref<1x128xi32, #tpu.memory_space<vmem>>
      %dma_wait3A_366 = tpu.memref_squeeze %dma_wait3A_365 : memref<1x128xi32, #tpu.memory_space<vmem>> -> memref<128xi32, #tpu.memory_space<vmem>>
      %dma_wait3A_367 = arith.constant 0 : i32
      %dma_wait3A_368 = arith.constant 0 : i32
      %dma_wait3A_369 = tpu.memref_slice %arg3[%dma_wait3A_367, %dma_wait3A_368] : memref<1000000x64xf32, #tpu.memory_space<hbm>> -> memref<1000000x64xf32, #tpu.memory_space<hbm>>
      tpu.wait_indirect_dma semaphore(%arg18 : memref<!tpu.dma_semaphore, #tpu.memory_space<semaphore_mem>>) src(%dma_wait3A_369 : memref<1000000x64xf32, #tpu.memory_space<hbm>>) dst(%dma_wait3A_363 : memref<128x64xf32, #tpu.memory_space<vmem>>)
      %dma_wait3A_370 = arith.constant 1 : i32
      %dma_wait3A_371 = arith.constant 128 : i32
      %dma_wait3A_372 = arith.constant 0 : i32
      %dma_wait3A_373 = tpu.memref_slice %arg10[%dma_wait3A_371, %dma_wait3A_372] : memref<256x64xf32, #tpu.memory_space<vmem>> -> memref<128x64xf32, #tpu.memory_space<vmem>>
      %dma_wait3A_374 = arith.constant 0 : i32
      %dma_wait3A_375 = tpu.memref_slice %arg6[%dma_wait3A_370, %dma_wait3A_374] : memref<2x128xi32, #tpu.memory_space<vmem>> -> memref<1x128xi32, #tpu.memory_space<vmem>>
      %dma_wait3A_376 = tpu.memref_squeeze %dma_wait3A_375 : memref<1x128xi32, #tpu.memory_space<vmem>> -> memref<128xi32, #tpu.memory_space<vmem>>
      %dma_wait3A_377 = arith.constant 0 : i32
      %dma_wait3A_378 = arith.constant 0 : i32
      %dma_wait3A_379 = tpu.memref_slice %arg3[%dma_wait3A_377, %dma_wait3A_378] : memref<1000000x64xf32, #tpu.memory_space<hbm>> -> memref<1000000x64xf32, #tpu.memory_space<hbm>>
      tpu.wait_indirect_dma semaphore(%arg18 : memref<!tpu.dma_semaphore, #tpu.memory_space<semaphore_mem>>) src(%dma_wait3A_379 : memref<1000000x64xf32, #tpu.memory_space<hbm>>) dst(%dma_wait3A_373 : memref<128x64xf32, #tpu.memory_space<vmem>>)
      %mul3A_380 = arith.constant 256 : i32
      %mul3A_381 = arith.muli %add3A_350, %mul3A_380 : i32
      %add3A_382 = arith.addi %mul3A_2, %mul3A_381 : i32
      %multiple_of3A_383 = tpu.assume_multiple %add3A_382, 256 : i32
      %dma_start3A_384 = arith.constant 0 : i32
      %dma_start3A_385 = tpu.memref_slice %arg4[%multiple_of3A_383, %dma_start3A_384] : memref<3276800x64xf32, #tpu.memory_space<hbm>> -> memref<256x64xf32, #tpu.memory_space<hbm>>
      %dma_start3A_386 = arith.constant 0 : i32
      %dma_start3A_387 = tpu.memref_slice %arg4[%multiple_of3A_383, %dma_start3A_386] : memref<3276800x64xf32, #tpu.memory_space<hbm>> -> memref<256x64xf32, #tpu.memory_space<hbm>>
      tpu.enqueue_dma source(%arg10 : memref<256x64xf32, #tpu.memory_space<vmem>>) target(%dma_start3A_387 : memref<256x64xf32, #tpu.memory_space<hbm>>) target_semaphore(%arg22 : memref<!tpu.dma_semaphore, #tpu.memory_space<semaphore_mem>>)
      %add3A_388 = arith.constant 4 : i32
      %add3A_389 = arith.addi %add3A_350, %add3A_388 : i32
      %lt3A_390 = arith.constant 400 : i32
      %lt3A_391 = arith.cmpi slt, %add3A_389, %lt3A_390 : i32
      %convert_element_type3A_392 = arith.extui %lt3A_391 : i1 to i32
      %cond3A_393 = arith.constant 0 : i32
      %cond3A_394 = arith.cmpi ne, %convert_element_type3A_392, %cond3A_393 : i32
      scf.if %cond3A_394 {
        %add3A_487 = arith.constant 4 : i32
        %add3A_488 = arith.addi %add3A_350, %add3A_487 : i32
        %mul3A_489 = arith.constant 256 : i32
        %mul3A_490 = arith.muli %add3A_488, %mul3A_489 : i32
        %add3A_491 = arith.addi %mul3A_2, %mul3A_490 : i32
        %jit3A_492 = arith.constant 128 : i32
        %div3A_493 = arith.divsi %add3A_491, %jit3A_492 : i32
        %sign3A_494 = arith.constant 0 : i32
        %sign3A_495 = arith.cmpi sgt, %add3A_491, %sign3A_494 : i32
        %sign3A_496 = arith.extui %sign3A_495 : i1 to i32
        %sign3A_497 = arith.constant 0 : i32
        %sign3A_498 = arith.cmpi slt, %add3A_491, %sign3A_497 : i32
        %sign3A_499 = arith.extui %sign3A_498 : i1 to i32
        %sign3A_500 = arith.subi %sign3A_496, %sign3A_499 : i32
        %sign3A_501 = arith.constant 0 : i32
        %sign3A_502 = arith.cmpi sgt, %jit3A_492, %sign3A_501 : i32
        %sign3A_503 = arith.extui %sign3A_502 : i1 to i32
        %sign3A_504 = arith.constant 0 : i32
        %sign3A_505 = arith.cmpi slt, %jit3A_492, %sign3A_504 : i32
        %sign3A_506 = arith.extui %sign3A_505 : i1 to i32
        %sign3A_507 = arith.subi %sign3A_503, %sign3A_506 : i32
        %ne3A_508 = arith.cmpi ne, %sign3A_500, %sign3A_507 : i32
        %rem3A_509 = arith.remsi %add3A_491, %jit3A_492 : i32
        %ne3A_510 = arith.constant 0 : i32
        %ne3A_511 = arith.cmpi ne, %rem3A_509, %ne3A_510 : i32
        %and3A_512 = arith.andi %ne3A_508, %ne3A_511 : i1
        %sub3A_513 = arith.constant 1 : i32
        %sub3A_514 = arith.subi %div3A_493, %sub3A_513 : i32
        %select_n3A_515 = arith.select %and3A_512, %sub3A_514, %div3A_493 : i32
        %multiple_of3A_516 = tpu.assume_multiple %select_n3A_515, 2 : i32
        %dma_start3A_517 = arith.constant 0 : i32
        %dma_start3A_518 = tpu.memref_slice %arg2[%multiple_of3A_516, %dma_start3A_517] : memref<25600x128xi32, #tpu.memory_space<hbm>> -> memref<2x128xi32, #tpu.memory_space<hbm>>
        %dma_start3A_519 = arith.constant 0 : i32
        %dma_start3A_520 = tpu.memref_slice %arg2[%multiple_of3A_516, %dma_start3A_519] : memref<25600x128xi32, #tpu.memory_space<hbm>> -> memref<2x128xi32, #tpu.memory_space<hbm>>
        tpu.enqueue_dma source(%dma_start3A_520 : memref<2x128xi32, #tpu.memory_space<hbm>>) target(%arg6 : memref<2x128xi32, #tpu.memory_space<vmem>>) target_semaphore(%arg14 : memref<!tpu.dma_semaphore, #tpu.memory_space<semaphore_mem>>)
      } else {
      }
      %add3A_395 = arith.constant 2 : i32
      %add3A_396 = arith.addi %add3A_305, %add3A_395 : i32
      %add3A_397 = arith.constant 4 : i32
      %add3A_398 = arith.addi %add3A_396, %add3A_397 : i32
      %sub3A_399 = arith.constant 1 : i32
      %sub3A_400 = arith.subi %add3A_398, %sub3A_399 : i32
      %lt3A_401 = arith.constant 400 : i32
      %lt3A_402 = arith.cmpi slt, %sub3A_400, %lt3A_401 : i32
      %convert_element_type3A_403 = arith.extui %lt3A_402 : i1 to i32
      %cond3A_404 = arith.constant 0 : i32
      %cond3A_405 = arith.cmpi ne, %convert_element_type3A_403, %cond3A_404 : i32
      scf.if %cond3A_405 {
        %add3A_487 = arith.constant 4 : i32
        %add3A_488 = arith.addi %add3A_396, %add3A_487 : i32
        %sub3A_489 = arith.constant 1 : i32
        %sub3A_490 = arith.subi %add3A_488, %sub3A_489 : i32
        %mul3A_491 = arith.constant 256 : i32
        %mul3A_492 = arith.muli %sub3A_490, %mul3A_491 : i32
        %add3A_493 = arith.addi %mul3A_2, %mul3A_492 : i32
        %jit3A_494 = arith.constant 128 : i32
        %div3A_495 = arith.divsi %add3A_493, %jit3A_494 : i32
        %sign3A_496 = arith.constant 0 : i32
        %sign3A_497 = arith.cmpi sgt, %add3A_493, %sign3A_496 : i32
        %sign3A_498 = arith.extui %sign3A_497 : i1 to i32
        %sign3A_499 = arith.constant 0 : i32
        %sign3A_500 = arith.cmpi slt, %add3A_493, %sign3A_499 : i32
        %sign3A_501 = arith.extui %sign3A_500 : i1 to i32
        %sign3A_502 = arith.subi %sign3A_498, %sign3A_501 : i32
        %sign3A_503 = arith.constant 0 : i32
        %sign3A_504 = arith.cmpi sgt, %jit3A_494, %sign3A_503 : i32
        %sign3A_505 = arith.extui %sign3A_504 : i1 to i32
        %sign3A_506 = arith.constant 0 : i32
        %sign3A_507 = arith.cmpi slt, %jit3A_494, %sign3A_506 : i32
        %sign3A_508 = arith.extui %sign3A_507 : i1 to i32
        %sign3A_509 = arith.subi %sign3A_505, %sign3A_508 : i32
        %ne3A_510 = arith.cmpi ne, %sign3A_502, %sign3A_509 : i32
        %rem3A_511 = arith.remsi %add3A_493, %jit3A_494 : i32
        %ne3A_512 = arith.constant 0 : i32
        %ne3A_513 = arith.cmpi ne, %rem3A_511, %ne3A_512 : i32
        %and3A_514 = arith.andi %ne3A_510, %ne3A_513 : i1
        %sub3A_515 = arith.constant 1 : i32
        %sub3A_516 = arith.subi %div3A_495, %sub3A_515 : i32
        %select_n3A_517 = arith.select %and3A_514, %sub3A_516, %div3A_495 : i32
        %multiple_of3A_518 = tpu.assume_multiple %select_n3A_517, 2 : i32
        %dma_wait3A_519 = arith.constant 0 : i32
        %dma_wait3A_520 = tpu.memref_slice %arg2[%multiple_of3A_518, %dma_wait3A_519] : memref<25600x128xi32, #tpu.memory_space<hbm>> -> memref<2x128xi32, #tpu.memory_space<hbm>>
        %dma_wait3A_521 = arith.constant 0 : i32
        %dma_wait3A_522 = tpu.memref_slice %arg2[%multiple_of3A_518, %dma_wait3A_521] : memref<25600x128xi32, #tpu.memory_space<hbm>> -> memref<2x128xi32, #tpu.memory_space<hbm>>
        tpu.wait_dma2 semaphore(%arg14 : memref<!tpu.dma_semaphore, #tpu.memory_space<semaphore_mem>>) src(%dma_wait3A_522 : memref<2x128xi32, #tpu.memory_space<hbm>>) dst(%arg6 : memref<2x128xi32, #tpu.memory_space<vmem>>)
        %ge3A = arith.constant 1 : i32
        %ge3A_523 = arith.cmpi sge, %add3A_396, %ge3A : i32
        %convert_element_type3A_524 = arith.extui %ge3A_523 : i1 to i32
        %cond3A_525 = arith.constant 0 : i32
        %cond3A_526 = arith.cmpi ne, %convert_element_type3A_524, %cond3A_525 : i32
        scf.if %cond3A_526 {
          %sub3A_547 = arith.constant 1 : i32
          %sub3A_548 = arith.subi %add3A_396, %sub3A_547 : i32
          %mul3A_549 = arith.constant 256 : i32
          %mul3A_550 = arith.muli %sub3A_548, %mul3A_549 : i32
          %add3A_551 = arith.addi %mul3A_2, %mul3A_550 : i32
          %multiple_of3A_552 = tpu.assume_multiple %add3A_551, 256 : i32
          %dma_wait3A_553 = arith.constant 0 : i32
          %dma_wait3A_554 = tpu.memref_slice %arg4[%multiple_of3A_552, %dma_wait3A_553] : memref<3276800x64xf32, #tpu.memory_space<hbm>> -> memref<256x64xf32, #tpu.memory_space<hbm>>
          %dma_wait3A_555 = arith.constant 0 : i32
          %dma_wait3A_556 = tpu.memref_slice %arg4[%multiple_of3A_552, %dma_wait3A_555] : memref<3276800x64xf32, #tpu.memory_space<hbm>> -> memref<256x64xf32, #tpu.memory_space<hbm>>
          tpu.wait_dma2 semaphore(%arg22 : memref<!tpu.dma_semaphore, #tpu.memory_space<semaphore_mem>>) src(%arg10 : memref<256x64xf32, #tpu.memory_space<vmem>>) dst(%dma_wait3A_556 : memref<256x64xf32, #tpu.memory_space<hbm>>)
        } else {
        }
        %dma_start3A_527 = arith.constant 0 : i32
        %dma_start3A_528 = arith.constant 0 : i32
        %dma_start3A_529 = arith.constant 0 : i32
        %dma_start3A_530 = tpu.memref_slice %arg10[%dma_start3A_528, %dma_start3A_529] : memref<256x64xf32, #tpu.memory_space<vmem>> -> memref<128x64xf32, #tpu.memory_space<vmem>>
        %dma_start3A_531 = arith.constant 0 : i32
        %dma_start3A_532 = tpu.memref_slice %arg6[%dma_start3A_527, %dma_start3A_531] : memref<2x128xi32, #tpu.memory_space<vmem>> -> memref<1x128xi32, #tpu.memory_space<vmem>>
        %dma_start3A_533 = tpu.memref_squeeze %dma_start3A_532 : memref<1x128xi32, #tpu.memory_space<vmem>> -> memref<128xi32, #tpu.memory_space<vmem>>
        %dma_start3A_534 = arith.constant 0 : i32
        %dma_start3A_535 = arith.constant 0 : i32
        %dma_start3A_536 = tpu.memref_slice %arg3[%dma_start3A_534, %dma_start3A_535] : memref<1000000x64xf32, #tpu.memory_space<hbm>> -> memref<1000000x64xf32, #tpu.memory_space<hbm>>
        tpu.enqueue_indirect_dma source(%dma_start3A_536 : memref<1000000x64xf32, #tpu.memory_space<hbm>>) target(%dma_start3A_530 : memref<128x64xf32, #tpu.memory_space<vmem>>) offsets(%dma_start3A_533 : memref<128xi32, #tpu.memory_space<vmem>>) semaphore(%arg18 : memref<!tpu.dma_semaphore, #tpu.memory_space<semaphore_mem>>)
        %dma_start3A_537 = arith.constant 1 : i32
        %dma_start3A_538 = arith.constant 128 : i32
        %dma_start3A_539 = arith.constant 0 : i32
        %dma_start3A_540 = tpu.memref_slice %arg10[%dma_start3A_538, %dma_start3A_539] : memref<256x64xf32, #tpu.memory_space<vmem>> -> memref<128x64xf32, #tpu.memory_space<vmem>>
        %dma_start3A_541 = arith.constant 0 : i32
        %dma_start3A_542 = tpu.memref_slice %arg6[%dma_start3A_537, %dma_start3A_541] : memref<2x128xi32, #tpu.memory_space<vmem>> -> memref<1x128xi32, #tpu.memory_space<vmem>>
        %dma_start3A_543 = tpu.memref_squeeze %dma_start3A_542 : memref<1x128xi32, #tpu.memory_space<vmem>> -> memref<128xi32, #tpu.memory_space<vmem>>
        %dma_start3A_544 = arith.constant 0 : i32
        %dma_start3A_545 = arith.constant 0 : i32
        %dma_start3A_546 = tpu.memref_slice %arg3[%dma_start3A_544, %dma_start3A_545] : memref<1000000x64xf32, #tpu.memory_space<hbm>> -> memref<1000000x64xf32, #tpu.memory_space<hbm>>
        tpu.enqueue_indirect_dma source(%dma_start3A_546 : memref<1000000x64xf32, #tpu.memory_space<hbm>>) target(%dma_start3A_540 : memref<128x64xf32, #tpu.memory_space<vmem>>) offsets(%dma_start3A_543 : memref<128xi32, #tpu.memory_space<vmem>>) semaphore(%arg18 : memref<!tpu.dma_semaphore, #tpu.memory_space<semaphore_mem>>)
      } else {
      }
      %dma_wait3A_406 = arith.constant 0 : i32
      %dma_wait3A_407 = arith.constant 0 : i32
      %dma_wait3A_408 = arith.constant 0 : i32
      %dma_wait3A_409 = tpu.memref_slice %arg11[%dma_wait3A_407, %dma_wait3A_408] : memref<256x64xf32, #tpu.memory_space<vmem>> -> memref<128x64xf32, #tpu.memory_space<vmem>>
      %dma_wait3A_410 = arith.constant 0 : i32
      %dma_wait3A_411 = tpu.memref_slice %arg7[%dma_wait3A_406, %dma_wait3A_410] : memref<2x128xi32, #tpu.memory_space<vmem>> -> memref<1x128xi32, #tpu.memory_space<vmem>>
      %dma_wait3A_412 = tpu.memref_squeeze %dma_wait3A_411 : memref<1x128xi32, #tpu.memory_space<vmem>> -> memref<128xi32, #tpu.memory_space<vmem>>
      %dma_wait3A_413 = arith.constant 0 : i32
      %dma_wait3A_414 = arith.constant 0 : i32
      %dma_wait3A_415 = tpu.memref_slice %arg3[%dma_wait3A_413, %dma_wait3A_414] : memref<1000000x64xf32, #tpu.memory_space<hbm>> -> memref<1000000x64xf32, #tpu.memory_space<hbm>>
      tpu.wait_indirect_dma semaphore(%arg19 : memref<!tpu.dma_semaphore, #tpu.memory_space<semaphore_mem>>) src(%dma_wait3A_415 : memref<1000000x64xf32, #tpu.memory_space<hbm>>) dst(%dma_wait3A_409 : memref<128x64xf32, #tpu.memory_space<vmem>>)
      %dma_wait3A_416 = arith.constant 1 : i32
      %dma_wait3A_417 = arith.constant 128 : i32
      %dma_wait3A_418 = arith.constant 0 : i32
      %dma_wait3A_419 = tpu.memref_slice %arg11[%dma_wait3A_417, %dma_wait3A_418] : memref<256x64xf32, #tpu.memory_space<vmem>> -> memref<128x64xf32, #tpu.memory_space<vmem>>
      %dma_wait3A_420 = arith.constant 0 : i32
      %dma_wait3A_421 = tpu.memref_slice %arg7[%dma_wait3A_416, %dma_wait3A_420] : memref<2x128xi32, #tpu.memory_space<vmem>> -> memref<1x128xi32, #tpu.memory_space<vmem>>
      %dma_wait3A_422 = tpu.memref_squeeze %dma_wait3A_421 : memref<1x128xi32, #tpu.memory_space<vmem>> -> memref<128xi32, #tpu.memory_space<vmem>>
      %dma_wait3A_423 = arith.constant 0 : i32
      %dma_wait3A_424 = arith.constant 0 : i32
      %dma_wait3A_425 = tpu.memref_slice %arg3[%dma_wait3A_423, %dma_wait3A_424] : memref<1000000x64xf32, #tpu.memory_space<hbm>> -> memref<1000000x64xf32, #tpu.memory_space<hbm>>
      tpu.wait_indirect_dma semaphore(%arg19 : memref<!tpu.dma_semaphore, #tpu.memory_space<semaphore_mem>>) src(%dma_wait3A_425 : memref<1000000x64xf32, #tpu.memory_space<hbm>>) dst(%dma_wait3A_419 : memref<128x64xf32, #tpu.memory_space<vmem>>)
      %mul3A_426 = arith.constant 256 : i32
      %mul3A_427 = arith.muli %add3A_396, %mul3A_426 : i32
      %add3A_428 = arith.addi %mul3A_2, %mul3A_427 : i32
      %multiple_of3A_429 = tpu.assume_multiple %add3A_428, 256 : i32
      %dma_start3A_430 = arith.constant 0 : i32
      %dma_start3A_431 = tpu.memref_slice %arg4[%multiple_of3A_429, %dma_start3A_430] : memref<3276800x64xf32, #tpu.memory_space<hbm>> -> memref<256x64xf32, #tpu.memory_space<hbm>>
      %dma_start3A_432 = arith.constant 0 : i32
      %dma_start3A_433 = tpu.memref_slice %arg4[%multiple_of3A_429, %dma_start3A_432] : memref<3276800x64xf32, #tpu.memory_space<hbm>> -> memref<256x64xf32, #tpu.memory_space<hbm>>
      tpu.enqueue_dma source(%arg11 : memref<256x64xf32, #tpu.memory_space<vmem>>) target(%dma_start3A_433 : memref<256x64xf32, #tpu.memory_space<hbm>>) target_semaphore(%arg23 : memref<!tpu.dma_semaphore, #tpu.memory_space<semaphore_mem>>)
      %add3A_434 = arith.constant 4 : i32
      %add3A_435 = arith.addi %add3A_396, %add3A_434 : i32
      %lt3A_436 = arith.constant 400 : i32
      %lt3A_437 = arith.cmpi slt, %add3A_435, %lt3A_436 : i32
      %convert_element_type3A_438 = arith.extui %lt3A_437 : i1 to i32
      %cond3A_439 = arith.constant 0 : i32
      %cond3A_440 = arith.cmpi ne, %convert_element_type3A_438, %cond3A_439 : i32
      scf.if %cond3A_440 {
        %add3A_487 = arith.constant 4 : i32
        %add3A_488 = arith.addi %add3A_396, %add3A_487 : i32
        %mul3A_489 = arith.constant 256 : i32
        %mul3A_490 = arith.muli %add3A_488, %mul3A_489 : i32
        %add3A_491 = arith.addi %mul3A_2, %mul3A_490 : i32
        %jit3A_492 = arith.constant 128 : i32
        %div3A_493 = arith.divsi %add3A_491, %jit3A_492 : i32
        %sign3A_494 = arith.constant 0 : i32
        %sign3A_495 = arith.cmpi sgt, %add3A_491, %sign3A_494 : i32
        %sign3A_496 = arith.extui %sign3A_495 : i1 to i32
        %sign3A_497 = arith.constant 0 : i32
        %sign3A_498 = arith.cmpi slt, %add3A_491, %sign3A_497 : i32
        %sign3A_499 = arith.extui %sign3A_498 : i1 to i32
        %sign3A_500 = arith.subi %sign3A_496, %sign3A_499 : i32
        %sign3A_501 = arith.constant 0 : i32
        %sign3A_502 = arith.cmpi sgt, %jit3A_492, %sign3A_501 : i32
        %sign3A_503 = arith.extui %sign3A_502 : i1 to i32
        %sign3A_504 = arith.constant 0 : i32
        %sign3A_505 = arith.cmpi slt, %jit3A_492, %sign3A_504 : i32
        %sign3A_506 = arith.extui %sign3A_505 : i1 to i32
        %sign3A_507 = arith.subi %sign3A_503, %sign3A_506 : i32
        %ne3A_508 = arith.cmpi ne, %sign3A_500, %sign3A_507 : i32
        %rem3A_509 = arith.remsi %add3A_491, %jit3A_492 : i32
        %ne3A_510 = arith.constant 0 : i32
        %ne3A_511 = arith.cmpi ne, %rem3A_509, %ne3A_510 : i32
        %and3A_512 = arith.andi %ne3A_508, %ne3A_511 : i1
        %sub3A_513 = arith.constant 1 : i32
        %sub3A_514 = arith.subi %div3A_493, %sub3A_513 : i32
        %select_n3A_515 = arith.select %and3A_512, %sub3A_514, %div3A_493 : i32
        %multiple_of3A_516 = tpu.assume_multiple %select_n3A_515, 2 : i32
        %dma_start3A_517 = arith.constant 0 : i32
        %dma_start3A_518 = tpu.memref_slice %arg2[%multiple_of3A_516, %dma_start3A_517] : memref<25600x128xi32, #tpu.memory_space<hbm>> -> memref<2x128xi32, #tpu.memory_space<hbm>>
        %dma_start3A_519 = arith.constant 0 : i32
        %dma_start3A_520 = tpu.memref_slice %arg2[%multiple_of3A_516, %dma_start3A_519] : memref<25600x128xi32, #tpu.memory_space<hbm>> -> memref<2x128xi32, #tpu.memory_space<hbm>>
        tpu.enqueue_dma source(%dma_start3A_520 : memref<2x128xi32, #tpu.memory_space<hbm>>) target(%arg7 : memref<2x128xi32, #tpu.memory_space<vmem>>) target_semaphore(%arg15 : memref<!tpu.dma_semaphore, #tpu.memory_space<semaphore_mem>>)
      } else {
      }
      %add3A_441 = arith.constant 3 : i32
      %add3A_442 = arith.addi %add3A_305, %add3A_441 : i32
      %add3A_443 = arith.constant 4 : i32
      %add3A_444 = arith.addi %add3A_442, %add3A_443 : i32
      %sub3A_445 = arith.constant 1 : i32
      %sub3A_446 = arith.subi %add3A_444, %sub3A_445 : i32
      %lt3A_447 = arith.constant 400 : i32
      %lt3A_448 = arith.cmpi slt, %sub3A_446, %lt3A_447 : i32
      %convert_element_type3A_449 = arith.extui %lt3A_448 : i1 to i32
      %cond3A_450 = arith.constant 0 : i32
      %cond3A_451 = arith.cmpi ne, %convert_element_type3A_449, %cond3A_450 : i32
      scf.if %cond3A_451 {
        %add3A_487 = arith.constant 4 : i32
        %add3A_488 = arith.addi %add3A_442, %add3A_487 : i32
        %sub3A_489 = arith.constant 1 : i32
        %sub3A_490 = arith.subi %add3A_488, %sub3A_489 : i32
        %mul3A_491 = arith.constant 256 : i32
        %mul3A_492 = arith.muli %sub3A_490, %mul3A_491 : i32
        %add3A_493 = arith.addi %mul3A_2, %mul3A_492 : i32
        %jit3A_494 = arith.constant 128 : i32
        %div3A_495 = arith.divsi %add3A_493, %jit3A_494 : i32
        %sign3A_496 = arith.constant 0 : i32
        %sign3A_497 = arith.cmpi sgt, %add3A_493, %sign3A_496 : i32
        %sign3A_498 = arith.extui %sign3A_497 : i1 to i32
        %sign3A_499 = arith.constant 0 : i32
        %sign3A_500 = arith.cmpi slt, %add3A_493, %sign3A_499 : i32
        %sign3A_501 = arith.extui %sign3A_500 : i1 to i32
        %sign3A_502 = arith.subi %sign3A_498, %sign3A_501 : i32
        %sign3A_503 = arith.constant 0 : i32
        %sign3A_504 = arith.cmpi sgt, %jit3A_494, %sign3A_503 : i32
        %sign3A_505 = arith.extui %sign3A_504 : i1 to i32
        %sign3A_506 = arith.constant 0 : i32
        %sign3A_507 = arith.cmpi slt, %jit3A_494, %sign3A_506 : i32
        %sign3A_508 = arith.extui %sign3A_507 : i1 to i32
        %sign3A_509 = arith.subi %sign3A_505, %sign3A_508 : i32
        %ne3A_510 = arith.cmpi ne, %sign3A_502, %sign3A_509 : i32
        %rem3A_511 = arith.remsi %add3A_493, %jit3A_494 : i32
        %ne3A_512 = arith.constant 0 : i32
        %ne3A_513 = arith.cmpi ne, %rem3A_511, %ne3A_512 : i32
        %and3A_514 = arith.andi %ne3A_510, %ne3A_513 : i1
        %sub3A_515 = arith.constant 1 : i32
        %sub3A_516 = arith.subi %div3A_495, %sub3A_515 : i32
        %select_n3A_517 = arith.select %and3A_514, %sub3A_516, %div3A_495 : i32
        %multiple_of3A_518 = tpu.assume_multiple %select_n3A_517, 2 : i32
        %dma_wait3A_519 = arith.constant 0 : i32
        %dma_wait3A_520 = tpu.memref_slice %arg2[%multiple_of3A_518, %dma_wait3A_519] : memref<25600x128xi32, #tpu.memory_space<hbm>> -> memref<2x128xi32, #tpu.memory_space<hbm>>
        %dma_wait3A_521 = arith.constant 0 : i32
        %dma_wait3A_522 = tpu.memref_slice %arg2[%multiple_of3A_518, %dma_wait3A_521] : memref<25600x128xi32, #tpu.memory_space<hbm>> -> memref<2x128xi32, #tpu.memory_space<hbm>>
        tpu.wait_dma2 semaphore(%arg15 : memref<!tpu.dma_semaphore, #tpu.memory_space<semaphore_mem>>) src(%dma_wait3A_522 : memref<2x128xi32, #tpu.memory_space<hbm>>) dst(%arg7 : memref<2x128xi32, #tpu.memory_space<vmem>>)
        %ge3A = arith.constant 1 : i32
        %ge3A_523 = arith.cmpi sge, %add3A_442, %ge3A : i32
        %convert_element_type3A_524 = arith.extui %ge3A_523 : i1 to i32
        %cond3A_525 = arith.constant 0 : i32
        %cond3A_526 = arith.cmpi ne, %convert_element_type3A_524, %cond3A_525 : i32
        scf.if %cond3A_526 {
          %sub3A_547 = arith.constant 1 : i32
          %sub3A_548 = arith.subi %add3A_442, %sub3A_547 : i32
          %mul3A_549 = arith.constant 256 : i32
          %mul3A_550 = arith.muli %sub3A_548, %mul3A_549 : i32
          %add3A_551 = arith.addi %mul3A_2, %mul3A_550 : i32
          %multiple_of3A_552 = tpu.assume_multiple %add3A_551, 256 : i32
          %dma_wait3A_553 = arith.constant 0 : i32
          %dma_wait3A_554 = tpu.memref_slice %arg4[%multiple_of3A_552, %dma_wait3A_553] : memref<3276800x64xf32, #tpu.memory_space<hbm>> -> memref<256x64xf32, #tpu.memory_space<hbm>>
          %dma_wait3A_555 = arith.constant 0 : i32
          %dma_wait3A_556 = tpu.memref_slice %arg4[%multiple_of3A_552, %dma_wait3A_555] : memref<3276800x64xf32, #tpu.memory_space<hbm>> -> memref<256x64xf32, #tpu.memory_space<hbm>>
          tpu.wait_dma2 semaphore(%arg23 : memref<!tpu.dma_semaphore, #tpu.memory_space<semaphore_mem>>) src(%arg11 : memref<256x64xf32, #tpu.memory_space<vmem>>) dst(%dma_wait3A_556 : memref<256x64xf32, #tpu.memory_space<hbm>>)
        } else {
        }
        %dma_start3A_527 = arith.constant 0 : i32
        %dma_start3A_528 = arith.constant 0 : i32
        %dma_start3A_529 = arith.constant 0 : i32
        %dma_start3A_530 = tpu.memref_slice %arg11[%dma_start3A_528, %dma_start3A_529] : memref<256x64xf32, #tpu.memory_space<vmem>> -> memref<128x64xf32, #tpu.memory_space<vmem>>
        %dma_start3A_531 = arith.constant 0 : i32
        %dma_start3A_532 = tpu.memref_slice %arg7[%dma_start3A_527, %dma_start3A_531] : memref<2x128xi32, #tpu.memory_space<vmem>> -> memref<1x128xi32, #tpu.memory_space<vmem>>
        %dma_start3A_533 = tpu.memref_squeeze %dma_start3A_532 : memref<1x128xi32, #tpu.memory_space<vmem>> -> memref<128xi32, #tpu.memory_space<vmem>>
        %dma_start3A_534 = arith.constant 0 : i32
        %dma_start3A_535 = arith.constant 0 : i32
        %dma_start3A_536 = tpu.memref_slice %arg3[%dma_start3A_534, %dma_start3A_535] : memref<1000000x64xf32, #tpu.memory_space<hbm>> -> memref<1000000x64xf32, #tpu.memory_space<hbm>>
        tpu.enqueue_indirect_dma source(%dma_start3A_536 : memref<1000000x64xf32, #tpu.memory_space<hbm>>) target(%dma_start3A_530 : memref<128x64xf32, #tpu.memory_space<vmem>>) offsets(%dma_start3A_533 : memref<128xi32, #tpu.memory_space<vmem>>) semaphore(%arg19 : memref<!tpu.dma_semaphore, #tpu.memory_space<semaphore_mem>>)
        %dma_start3A_537 = arith.constant 1 : i32
        %dma_start3A_538 = arith.constant 128 : i32
        %dma_start3A_539 = arith.constant 0 : i32
        %dma_start3A_540 = tpu.memref_slice %arg11[%dma_start3A_538, %dma_start3A_539] : memref<256x64xf32, #tpu.memory_space<vmem>> -> memref<128x64xf32, #tpu.memory_space<vmem>>
        %dma_start3A_541 = arith.constant 0 : i32
        %dma_start3A_542 = tpu.memref_slice %arg7[%dma_start3A_537, %dma_start3A_541] : memref<2x128xi32, #tpu.memory_space<vmem>> -> memref<1x128xi32, #tpu.memory_space<vmem>>
        %dma_start3A_543 = tpu.memref_squeeze %dma_start3A_542 : memref<1x128xi32, #tpu.memory_space<vmem>> -> memref<128xi32, #tpu.memory_space<vmem>>
        %dma_start3A_544 = arith.constant 0 : i32
        %dma_start3A_545 = arith.constant 0 : i32
        %dma_start3A_546 = tpu.memref_slice %arg3[%dma_start3A_544, %dma_start3A_545] : memref<1000000x64xf32, #tpu.memory_space<hbm>> -> memref<1000000x64xf32, #tpu.memory_space<hbm>>
        tpu.enqueue_indirect_dma source(%dma_start3A_546 : memref<1000000x64xf32, #tpu.memory_space<hbm>>) target(%dma_start3A_540 : memref<128x64xf32, #tpu.memory_space<vmem>>) offsets(%dma_start3A_543 : memref<128xi32, #tpu.memory_space<vmem>>) semaphore(%arg19 : memref<!tpu.dma_semaphore, #tpu.memory_space<semaphore_mem>>)
      } else {
      }
      %dma_wait3A_452 = arith.constant 0 : i32
      %dma_wait3A_453 = arith.constant 0 : i32
      %dma_wait3A_454 = arith.constant 0 : i32
      %dma_wait3A_455 = tpu.memref_slice %arg12[%dma_wait3A_453, %dma_wait3A_454] : memref<256x64xf32, #tpu.memory_space<vmem>> -> memref<128x64xf32, #tpu.memory_space<vmem>>
      %dma_wait3A_456 = arith.constant 0 : i32
      %dma_wait3A_457 = tpu.memref_slice %arg8[%dma_wait3A_452, %dma_wait3A_456] : memref<2x128xi32, #tpu.memory_space<vmem>> -> memref<1x128xi32, #tpu.memory_space<vmem>>
      %dma_wait3A_458 = tpu.memref_squeeze %dma_wait3A_457 : memref<1x128xi32, #tpu.memory_space<vmem>> -> memref<128xi32, #tpu.memory_space<vmem>>
      %dma_wait3A_459 = arith.constant 0 : i32
      %dma_wait3A_460 = arith.constant 0 : i32
      %dma_wait3A_461 = tpu.memref_slice %arg3[%dma_wait3A_459, %dma_wait3A_460] : memref<1000000x64xf32, #tpu.memory_space<hbm>> -> memref<1000000x64xf32, #tpu.memory_space<hbm>>
      tpu.wait_indirect_dma semaphore(%arg20 : memref<!tpu.dma_semaphore, #tpu.memory_space<semaphore_mem>>) src(%dma_wait3A_461 : memref<1000000x64xf32, #tpu.memory_space<hbm>>) dst(%dma_wait3A_455 : memref<128x64xf32, #tpu.memory_space<vmem>>)
      %dma_wait3A_462 = arith.constant 1 : i32
      %dma_wait3A_463 = arith.constant 128 : i32
      %dma_wait3A_464 = arith.constant 0 : i32
      %dma_wait3A_465 = tpu.memref_slice %arg12[%dma_wait3A_463, %dma_wait3A_464] : memref<256x64xf32, #tpu.memory_space<vmem>> -> memref<128x64xf32, #tpu.memory_space<vmem>>
      %dma_wait3A_466 = arith.constant 0 : i32
      %dma_wait3A_467 = tpu.memref_slice %arg8[%dma_wait3A_462, %dma_wait3A_466] : memref<2x128xi32, #tpu.memory_space<vmem>> -> memref<1x128xi32, #tpu.memory_space<vmem>>
      %dma_wait3A_468 = tpu.memref_squeeze %dma_wait3A_467 : memref<1x128xi32, #tpu.memory_space<vmem>> -> memref<128xi32, #tpu.memory_space<vmem>>
      %dma_wait3A_469 = arith.constant 0 : i32
      %dma_wait3A_470 = arith.constant 0 : i32
      %dma_wait3A_471 = tpu.memref_slice %arg3[%dma_wait3A_469, %dma_wait3A_470] : memref<1000000x64xf32, #tpu.memory_space<hbm>> -> memref<1000000x64xf32, #tpu.memory_space<hbm>>
      tpu.wait_indirect_dma semaphore(%arg20 : memref<!tpu.dma_semaphore, #tpu.memory_space<semaphore_mem>>) src(%dma_wait3A_471 : memref<1000000x64xf32, #tpu.memory_space<hbm>>) dst(%dma_wait3A_465 : memref<128x64xf32, #tpu.memory_space<vmem>>)
      %mul3A_472 = arith.constant 256 : i32
      %mul3A_473 = arith.muli %add3A_442, %mul3A_472 : i32
      %add3A_474 = arith.addi %mul3A_2, %mul3A_473 : i32
      %multiple_of3A_475 = tpu.assume_multiple %add3A_474, 256 : i32
      %dma_start3A_476 = arith.constant 0 : i32
      %dma_start3A_477 = tpu.memref_slice %arg4[%multiple_of3A_475, %dma_start3A_476] : memref<3276800x64xf32, #tpu.memory_space<hbm>> -> memref<256x64xf32, #tpu.memory_space<hbm>>
      %dma_start3A_478 = arith.constant 0 : i32
      %dma_start3A_479 = tpu.memref_slice %arg4[%multiple_of3A_475, %dma_start3A_478] : memref<3276800x64xf32, #tpu.memory_space<hbm>> -> memref<256x64xf32, #tpu.memory_space<hbm>>
      tpu.enqueue_dma source(%arg12 : memref<256x64xf32, #tpu.memory_space<vmem>>) target(%dma_start3A_479 : memref<256x64xf32, #tpu.memory_space<hbm>>) target_semaphore(%arg24 : memref<!tpu.dma_semaphore, #tpu.memory_space<semaphore_mem>>)
      %add3A_480 = arith.constant 4 : i32
      %add3A_481 = arith.addi %add3A_442, %add3A_480 : i32
      %lt3A_482 = arith.constant 400 : i32
      %lt3A_483 = arith.cmpi slt, %add3A_481, %lt3A_482 : i32
      %convert_element_type3A_484 = arith.extui %lt3A_483 : i1 to i32
      %cond3A_485 = arith.constant 0 : i32
      %cond3A_486 = arith.cmpi ne, %convert_element_type3A_484, %cond3A_485 : i32
      scf.if %cond3A_486 {
        %add3A_487 = arith.constant 4 : i32
        %add3A_488 = arith.addi %add3A_442, %add3A_487 : i32
        %mul3A_489 = arith.constant 256 : i32
        %mul3A_490 = arith.muli %add3A_488, %mul3A_489 : i32
        %add3A_491 = arith.addi %mul3A_2, %mul3A_490 : i32
        %jit3A_492 = arith.constant 128 : i32
        %div3A_493 = arith.divsi %add3A_491, %jit3A_492 : i32
        %sign3A_494 = arith.constant 0 : i32
        %sign3A_495 = arith.cmpi sgt, %add3A_491, %sign3A_494 : i32
        %sign3A_496 = arith.extui %sign3A_495 : i1 to i32
        %sign3A_497 = arith.constant 0 : i32
        %sign3A_498 = arith.cmpi slt, %add3A_491, %sign3A_497 : i32
        %sign3A_499 = arith.extui %sign3A_498 : i1 to i32
        %sign3A_500 = arith.subi %sign3A_496, %sign3A_499 : i32
        %sign3A_501 = arith.constant 0 : i32
        %sign3A_502 = arith.cmpi sgt, %jit3A_492, %sign3A_501 : i32
        %sign3A_503 = arith.extui %sign3A_502 : i1 to i32
        %sign3A_504 = arith.constant 0 : i32
        %sign3A_505 = arith.cmpi slt, %jit3A_492, %sign3A_504 : i32
        %sign3A_506 = arith.extui %sign3A_505 : i1 to i32
        %sign3A_507 = arith.subi %sign3A_503, %sign3A_506 : i32
        %ne3A_508 = arith.cmpi ne, %sign3A_500, %sign3A_507 : i32
        %rem3A_509 = arith.remsi %add3A_491, %jit3A_492 : i32
        %ne3A_510 = arith.constant 0 : i32
        %ne3A_511 = arith.cmpi ne, %rem3A_509, %ne3A_510 : i32
        %and3A_512 = arith.andi %ne3A_508, %ne3A_511 : i1
        %sub3A_513 = arith.constant 1 : i32
        %sub3A_514 = arith.subi %div3A_493, %sub3A_513 : i32
        %select_n3A_515 = arith.select %and3A_512, %sub3A_514, %div3A_493 : i32
        %multiple_of3A_516 = tpu.assume_multiple %select_n3A_515, 2 : i32
        %dma_start3A_517 = arith.constant 0 : i32
        %dma_start3A_518 = tpu.memref_slice %arg2[%multiple_of3A_516, %dma_start3A_517] : memref<25600x128xi32, #tpu.memory_space<hbm>> -> memref<2x128xi32, #tpu.memory_space<hbm>>
        %dma_start3A_519 = arith.constant 0 : i32
        %dma_start3A_520 = tpu.memref_slice %arg2[%multiple_of3A_516, %dma_start3A_519] : memref<25600x128xi32, #tpu.memory_space<hbm>> -> memref<2x128xi32, #tpu.memory_space<hbm>>
        tpu.enqueue_dma source(%dma_start3A_520 : memref<2x128xi32, #tpu.memory_space<hbm>>) target(%arg8 : memref<2x128xi32, #tpu.memory_space<vmem>>) target_semaphore(%arg16 : memref<!tpu.dma_semaphore, #tpu.memory_space<semaphore_mem>>)
      } else {
      }
    }
    %scan3A_272 = arith.constant 100 : i32
    %add3A_273 = arith.constant 101376 : i32
    %add3A_274 = arith.addi %mul3A_2, %add3A_273 : i32
    %multiple_of3A_275 = tpu.assume_multiple %add3A_274, 256 : i32
    %dma_wait3A_276 = arith.constant 0 : i32
    %dma_wait3A_277 = tpu.memref_slice %arg4[%multiple_of3A_275, %dma_wait3A_276] : memref<3276800x64xf32, #tpu.memory_space<hbm>> -> memref<256x64xf32, #tpu.memory_space<hbm>>
    %dma_wait3A_278 = arith.constant 0 : i32
    %dma_wait3A_279 = tpu.memref_slice %arg4[%multiple_of3A_275, %dma_wait3A_278] : memref<3276800x64xf32, #tpu.memory_space<hbm>> -> memref<256x64xf32, #tpu.memory_space<hbm>>
    tpu.wait_dma2 semaphore(%arg21 : memref<!tpu.dma_semaphore, #tpu.memory_space<semaphore_mem>>) src(%arg9 : memref<256x64xf32, #tpu.memory_space<vmem>>) dst(%dma_wait3A_279 : memref<256x64xf32, #tpu.memory_space<hbm>>)
    %add3A_280 = arith.constant 101632 : i32
    %add3A_281 = arith.addi %mul3A_2, %add3A_280 : i32
    %multiple_of3A_282 = tpu.assume_multiple %add3A_281, 256 : i32
    %dma_wait3A_283 = arith.constant 0 : i32
    %dma_wait3A_284 = tpu.memref_slice %arg4[%multiple_of3A_282, %dma_wait3A_283] : memref<3276800x64xf32, #tpu.memory_space<hbm>> -> memref<256x64xf32, #tpu.memory_space<hbm>>
    %dma_wait3A_285 = arith.constant 0 : i32
    %dma_wait3A_286 = tpu.memref_slice %arg4[%multiple_of3A_282, %dma_wait3A_285] : memref<3276800x64xf32, #tpu.memory_space<hbm>> -> memref<256x64xf32, #tpu.memory_space<hbm>>
    tpu.wait_dma2 semaphore(%arg22 : memref<!tpu.dma_semaphore, #tpu.memory_space<semaphore_mem>>) src(%arg10 : memref<256x64xf32, #tpu.memory_space<vmem>>) dst(%dma_wait3A_286 : memref<256x64xf32, #tpu.memory_space<hbm>>)
    %add3A_287 = arith.constant 101888 : i32
    %add3A_288 = arith.addi %mul3A_2, %add3A_287 : i32
    %multiple_of3A_289 = tpu.assume_multiple %add3A_288, 256 : i32
    %dma_wait3A_290 = arith.constant 0 : i32
    %dma_wait3A_291 = tpu.memref_slice %arg4[%multiple_of3A_289, %dma_wait3A_290] : memref<3276800x64xf32, #tpu.memory_space<hbm>> -> memref<256x64xf32, #tpu.memory_space<hbm>>
    %dma_wait3A_292 = arith.constant 0 : i32
    %dma_wait3A_293 = tpu.memref_slice %arg4[%multiple_of3A_289, %dma_wait3A_292] : memref<3276800x64xf32, #tpu.memory_space<hbm>> -> memref<256x64xf32, #tpu.memory_space<hbm>>
    tpu.wait_dma2 semaphore(%arg23 : memref<!tpu.dma_semaphore, #tpu.memory_space<semaphore_mem>>) src(%arg11 : memref<256x64xf32, #tpu.memory_space<vmem>>) dst(%dma_wait3A_293 : memref<256x64xf32, #tpu.memory_space<hbm>>)
    %add3A_294 = arith.constant 102144 : i32
    %add3A_295 = arith.addi %mul3A_2, %add3A_294 : i32
    %multiple_of3A_296 = tpu.assume_multiple %add3A_295, 256 : i32
    %dma_wait3A_297 = arith.constant 0 : i32
    %dma_wait3A_298 = tpu.memref_slice %arg4[%multiple_of3A_296, %dma_wait3A_297] : memref<3276800x64xf32, #tpu.memory_space<hbm>> -> memref<256x64xf32, #tpu.memory_space<hbm>>
    %dma_wait3A_299 = arith.constant 0 : i32
    %dma_wait3A_300 = tpu.memref_slice %arg4[%multiple_of3A_296, %dma_wait3A_299] : memref<3276800x64xf32, #tpu.memory_space<hbm>> -> memref<256x64xf32, #tpu.memory_space<hbm>>
    tpu.wait_dma2 semaphore(%arg24 : memref<!tpu.dma_semaphore, #tpu.memory_space<semaphore_mem>>) src(%arg12 : memref<256x64xf32, #tpu.memory_space<vmem>>) dst(%dma_wait3A_300 : memref<256x64xf32, #tpu.memory_space<hbm>>)
    return
  }
}

</mosaic_0001>

<sc_bundles>
// kernel: kernel.3.cloned.1.call-start
scs
__scs_entry_jumppad:
0x0: {  	(pc) =	sbr.rel $0x88, $3  }
0x1: {  	(tag) =	ssettag $0x0;
	lr =	simm.s32 $0x1  }
0x2: {  	[smem:$0x3F9F] =	sst lr;
	_ =	strace $0xD0000000  }
0x3: {  	_ = 	snop  }
0x4: {  	_ = 	snop  }
0x5: {  	_ = 	snop  }
0x6: {  	_ = 	snop  }
0x7: {  	_ = 	snop  }
__scs_overlays_trampoline_lowered:
0x8: {  	[smem:$0x3FAE] =	sst s0  }
0x9: {  	[smem:$0x3FAF] =	sst s1  }
0xa: {  	[smem:$0x3FB0] =	sst s2  }
0xb: {  	[smem:$0x3FB1] =	sst s3  }
0xc: {  	[smem:$0x3FB2] =	sst s4  }
0xd: {  	[smem:$0x3FB3] =	sst s5  }
0xe: {  	[smem:$0x3FB4] =	sst s6  }
0xf: {  	[smem:$0x3FB5] =	sst s7  }
0x10: {  	[smem:$0x3FB6] =	sst s8  }
0x11: {  	[smem:$0x3FB7] =	sst s9;
	s0 =	simm.s32 @!p0 $0x0  }
0x12: {  	s1 =	sld [smem:$0x3F9D];
	s0 =	simm.s32 @p0 $0x1  }
0x13: {  	[smem:$0x3FB8] =	sst s0;
	s0 =	simm.s32 @!p1 $0x0  }
0x14: {  	s2 =	sld [smem:$0x3F9C];
	s0 =	simm.s32 @p1 $0x1  }
0x15: {  	[smem:$0x3FB9] =	sst s0;
	s0 =	simm.s32 @!p2 $0x0  }
0x16: {  	s3 =	sld [smem:$0x3FDB];
	s0 =	simm.s32 @p2 $0x1  }
0x17: {  	s4 =	simm.s32 $0x1BF5;
	[smem:$0x3FBB] =	sst s0  }
0x18: {  	s0 =	sld [smem:$0x3F9E];
	_ =	swait.ge [sflag:s4], $0x0  }
0x19: {  	s7 =	sld [smem:$0x3F9F]  }
0x1a: {  	s8 =	sadd.s32 $0xFFFFE003, lr  }
0x1b: {  	s9 =	sadd.s32 $0xFFFFFEF7, lr;
	s5 =	simm.s32 $0xFFFFFFFF;
	p2 =	slt.u32 s8, $0xFFFFF086  }
0x1c: {  	p1 =	slt.u32 s9, $0xF7A;
	s5 =	simm.s32 @!p2 $0x0  }
0x1d: {  	s5 =	simm.s32 @p1 $0x1;
	p0 =	seq.s32 s7, s2  }
0x1e: {  	s7 =	smul.u32 @!p0 $0xF7A, s2;
	p2 =	seq.s32 @!p0 s5, $0x0  }
0x1f: {  	s9 =	smul.u32 $0xF7A, s1;
	s8 =	simm.s32 @!p0 $0x1BF5;
	p2 =	por !p2, p0  }
0x20: {  	[sflag:s8] =	ssyncset.s32 @!p0 $0xFFFFF086;
	s6 =	sadd.s32 @!p0 s3, s7;
	s7 =	simm.s32 @!p0 $0x108  }
0x21: {  	s3 =	sadd.s32 s3, s9;
	s6 =	sadd.s32 @!p0 $0x88, s6;
	s7 =	simm.s32 @p2 $0x1082  }
0x22: {  	[simem:s7], [sflag:s8] =	dma.local @!p0 [hbm:s6], $0xF7A  }
0x23: {  	s9 =	sor.u32 $0xD0000000, s2;
	s6 =	simm.s32 $0x108;
	_ =	swait.ge @!p0 [sflag:s8], $0x0  }
0x24: {  	s3 =	sadd.s32 $0x88, s3;
	s6 =	simm.s32 @!p1 $0x1082;
	[sflag:s4] =	ssyncset.s32 $0xFFFFF086  }
0x25: {  	[simem:s6], [sflag:s4] =	dma.local [hbm:s3], $0xF7A  }
0x26: {  	[smem:$0x3F9F] =	sst s1;
	(tag) =	ssettag s2;
	_ =	strace s9  }
0x27: {  	s1 =	sld [smem:$0x3FAF]  }
0x28: {  	s2 =	sld [smem:$0x3FB0]  }
0x29: {  	s4 =	sld [smem:$0x3FB2]  }
0x2a: {  	p0 =	seq.s32 s5, $0x0;
	s5 =	sld [smem:$0x3FB3]  }
0x2b: {  	s6 =	sld [smem:$0x3FB4]  }
0x2c: {  	s7 =	sld [smem:$0x3FB5]  }
0x2d: {  	s3 =	simm.s32 $0x108;
	s8 =	sld [smem:$0x3FB6]  }
0x2e: {  	s3 =	simm.s32 @!p0 $0x1082;
	s9 =	sld [smem:$0x3FB7]  }
0x2f: {  	lr =	sadd.s32 s0, s3;
	s0 =	sld [smem:$0x3FAE]  }
0x30: {  	s3 =	sld [smem:$0x3FB1]  }
0x31: {  	[smem:$0x3FBA] =	sst s10  }
0x32: {  	s10 =	sld [smem:$0x3FB8];
	_ =	sdelay $0x3  }
0x33: {  	p0 =	seq.s32 s10, $0x1;
	s10 =	sld [smem:$0x3FBA];
	_ =	sdelay $0x3  }
0x34: {  	[smem:$0x3FBA] =	sst s10  }
0x35: {  	s10 =	sld [smem:$0x3FB9];
	_ =	sdelay $0x3  }
0x36: {  	p1 =	seq.s32 s10, $0x1;
	s10 =	sld [smem:$0x3FBA];
	_ =	sdelay $0x3  }
0x37: {  	[smem:$0x3FBA] =	sst s10  }
0x38: {  	s10 =	sld [smem:$0x3FBB]  }
0x39: {  	_ = 	snop;
	(pc) =	sbr.ind lr, $3  }
0x3a: {  	_ = 	snop  }
0x3b: {  	_ = 	snop  }
0x3c: {  	p2 =	seq.s32 s10, $0x1;
	s10 =	sld [smem:$0x3FBA]  }
0x3d: {  	_ =	shalt  }
0x3e: {  	_ =	shalt  }
0x3f: {  	_ =	shalt  }
0x40: {  	_ =	shalt  }
0x41: {  	_ =	shalt  }
0x42: {  	_ =	shalt  }
0x43: {  	_ =	shalt  }
0x44: {  	_ =	shalt  }
0x45: {  	_ =	shalt  }
0x46: {  	_ =	shalt  }
0x47: {  	_ =	shalt  }
0x48: {  	_ =	shalt  }
0x49: {  	_ =	shalt  }
0x4a: {  	_ =	shalt  }
0x4b: {  	_ =	shalt  }
0x4c: {  	_ =	shalt  }
0x4d: {  	_ =	shalt  }
0x4e: {  	_ =	shalt  }
0x4f: {  	_ =	shalt  }
0x50: {  	_ =	shalt  }
0x51: {  	_ =	shalt  }
0x52: {  	_ =	shalt  }
0x53: {  	_ =	shalt  }
0x54: {  	_ =	shalt  }
0x55: {  	_ =	shalt  }
0x56: {  	_ =	shalt  }
0x57: {  	_ =	shalt  }
0x58: {  	_ =	shalt  }
0x59: {  	_ =	shalt  }
0x5a: {  	_ =	shalt  }
0x5b: {  	_ =	shalt  }
0x5c: {  	_ =	shalt  }
0x5d: {  	_ =	shalt  }
0x5e: {  	_ =	shalt  }
0x5f: {  	_ =	shalt  }
0x60: {  	_ =	shalt  }
0x61: {  	_ =	shalt  }
0x62: {  	_ =	shalt  }
0x63: {  	_ =	shalt  }
0x64: {  	_ =	shalt  }
0x65: {  	_ =	shalt  }
0x66: {  	_ =	shalt  }
0x67: {  	_ =	shalt  }
0x68: {  	_ =	shalt  }
0x69: {  	_ =	shalt  }
0x6a: {  	_ =	shalt  }
0x6b: {  	_ =	shalt  }
0x6c: {  	_ =	shalt  }
0x6d: {  	_ =	shalt  }
0x6e: {  	_ =	shalt  }
0x6f: {  	_ =	shalt  }
0x70: {  	_ =	shalt  }
0x71: {  	_ =	shalt  }
0x72: {  	_ =	shalt  }
0x73: {  	_ =	shalt  }
0x74: {  	_ =	shalt  }
0x75: {  	_ =	shalt  }
0x76: {  	_ =	shalt  }
0x77: {  	_ =	shalt  }
0x78: {  	_ =	shalt  }
0x79: {  	_ =	shalt  }
0x7a: {  	_ =	shalt  }
0x7b: {  	_ =	shalt  }
0x7c: {  	_ =	shalt  }
0x7d: {  	_ =	shalt  }
0x7e: {  	_ =	shalt  }
0x7f: {  	_ =	shalt  }
0x80: {  	_ =	shalt  }
0x81: {  	_ =	shalt  }
0x82: {  	_ =	shalt  }
0x83: {  	_ =	shalt  }
0x84: {  	_ =	shalt  }
0x85: {  	_ =	shalt  }
0x86: {  	_ =	shalt  }
0x87: {  	_ =	shalt  }
.Lfunc_end0:
.L_simem_size_0:
called_computation_lowered:
.L_overlay_start_0:
0x88: {  	s2 =	sld [smem:$0x3FD9]  }
0x89: {  	s3 =	sld [smem:$0x3FFE];
	_ =	sdelay $0x1  }
0x8a: {  	s1 =	srdreg.scid  }
0x8b: {  	s0 =	sand.u32 $0x1, s1  }
0x8c: {  	s16 =	sshll.u32 s0, $0xA;
	s2 =	sadd.s32 s3, s2  }
0x8d: {  	s2 =	sadd.s32 s2, s16  }
0x8e: {  	[smem:$0x3FC6] =	sst s2  }
0x8f: {  	_ = 	snop  }
0x90: {  	(tm) =	ssettm $0x1  }
0x91: {  	s17 =	sld [smem:$0x3FFB];
	_ =	sdelay $0x3  }
0x92: {  	_ =	strace s17  }
0x93: {  	s2 =	sld [smem:$0x3FFC];
	_ =	sdelay $0x3  }
0x94: {  	_ =	strace s2  }
0x95: {  	s2 =	sld [smem:$0x3FFD];
	_ =	sdelay $0x3  }
0x96: {  	_ =	strace s2  }
0x97: {  	_ =	strace $0x8FFFFFFF  }
0x98: {  	s18 =	sld [smem:$0x3FDB];
	_ =	sdelay $0x1  }
0x99: {  	s19 =	simm.s32 $_scs_section_size  }
0x9a: {  	s4 =	simm.s32 $_size__tile_overlayer_lowered;
	s5 =	simm.s32 $_tile_overlayer_lowered  }
0x9b: {  	s22 =	simm.s32 $0x1BFF;
	s21 =	sshll.u32 s5, $0x1;
	s2 =	sadd.s32 s19, s18  }
0x9c: {  	s6 =	simm.s32 $0x0;
	s20 =	sshll.u32 s4, $0x1;
	s4 =	sadd.s32 s21, s2  }
0x9d: {  	[timem:s6], [sflag:s22] =	dma.local [hbm:s4], s20  }
0x9e: {  	_ =	swait.ge [sflag:s22], s20  }
0x9f: {  	s3 =	ssub.s32 $0x0, s20;
	[sflag:s22] =	ssyncset.done $0x0  }
0xa0: {  	[sflag:s22] =	ssyncadd.s32 s3;
	_ =	sdelay $0x1  }
0xa1: {  	s23 =	simm.s32 $0x1B8B  }
0xa2: {  	_ =	swait.ge [sflag:s23], $0x1  }
0xa3: {  	[sflag:s23] =	ssyncset.done $0x0  }
0xa4: {  	s25 =	simm.s32 $0x1B8E;
	s24 =	sld [smem:$0x3FFE];
	[sflag:s23] =	ssyncadd.s32 $0xFFFFFFFF  }
0xa5: {  	s26 =	simm.s32 $execute0_lowered;
	[smem:$0x3FD2] =	sst s25  }
0xa6: {  	s4 =	sshll.u32 s26, $0x1;
	_ =	strace $0x80000046;
	[dreg:$0x1] =	wrdreg $0xFFFFFFFF  }
0xa7: {  	s28 =	simm.s32 $_size_execute0_lowered;
	s2 =	sadd.s32 s2, s4;
	[dreg:$0x0] =	wrdreg $0x0  }
0xa8: {  	s4 =	sshll.u32 s28, $0x1;
	[dreg:$0x2] =	wrdreg s2  }
0xa9: {  	[dreg:$0x3] =	wrdreg s4  }
0xaa: {  	[dreg:$0x4] =	wrdreg $0xC0  }
0xab: {  	_ =	task [dreg:s6], $0x5FFFF  }
0xac: {  	[dreg:$0x1] =	wrdreg $0xFFFFFFFF  }
0xad: {  	[dreg:$0x0] =	wrdreg $0x60  }
0xae: {  	[dreg:$0x2] =	wrdreg s24  }
0xaf: {  	[dreg:$0x3] =	wrdreg $0x9  }
0xb0: {  	_ =	task.clear_ibuf [dreg:s6], $0x4FFFF;
	_ =	strace $0x90000046  }
0xb1: {  	s29 =	simm.s32 $0x9;
	_ =	strace $0x80000048  }
0xb2: {  	_ =	swait.ge [sflag:s29], $0x1  }
0xb3: {  	[sflag:s29] =	ssyncadd.s32 $0xFFFFFFFF  }
0xb4: {  	_ =	strace $0x90000048  }
0xb5: {  	_ =	sfence  }
0xb6: {  	s30 =	sld [smem:$0x0];
	_ =	sdelay $0x2  }
0xb7: {  	s31 =	sshll.u32 s1, $0xD;
	s1 =	sshrl.u32 s1, $0x2  }
0xb8: {  	s3 =	sand.u32 $0x4000, s31;
	s1 =	sadd.s32 s1, s30  }
0xb9: {  	s0 =	sor.u32 s3, s0;
	s1 =	sshll.u32 s1, $0x11  }
0xba: {  	s0 =	sor.u32 s1, s0  }
0xbb: {  	s0 =	sadd.s32 $0x8F2B, s0  }
0xbc: {  	[sflag:s0] =	ssyncadd.remote.s32 $0x1  }
0xbd: {  	_ =	sfence.sel $0xFFFF  }
0xbe: {  	[dreg:$0x0] =	wrdreg $0xFFFFFFFF;
	(pc) =	sbr.abs _section_cstart, $3  }
0xbf: {  	[dreg:$0x1] =	wrdreg $0xFFFFFFFF  }
0xc0: {  	_ =	task.clear_ibuf [dreg:s6], $0x2FFFF;
	_ =	strace $0x9FFFFFFF  }
0xc1: {  	(tm) =	ssettm $0x7FFFFFFF  }
tec
execute0_lowered:
.L_overlay_start_1:
0x0: {  	(tag) =	ssettag $0x1  }
0x1: {  	s0 =	rddreg [dreg:$0x0]  }
0x2: {  	s1 =	srdreg.scid;
	s10 =	stileid.u32  }
0x3: {  	s2 =	simm.s32 $0x0;
	s30 =	simm.s32 $0x8400;
	s28 =	simm.s32 $0xE400  }
0x4: {  	s31 =	simm.s32 $0x5;
	s11 =	simm.s32 $0xB;
	s7 =	smul.u32 $0xC80000, s10  }
0x5: {  	s12 =	simm.s32 $0x0;
	s1 =	sand.u32 $0x1, s1;
	s13 =	smul.u32 $0x32000, s10  }
0x6: {  	s3 =	sshll.u32 s10, $0x1;
	[smem:$0x7FF] =	sst s2;
	s9 =	smul.u32 $0x640000, s1  }
0x7: {  	s3 =	sor.u32 s1, s3;
	s6 =	ssub.s32 $0x2, s1;
	s1 =	smul.u32 $0x19000, s1  }
0x8: {  	s4 =	sadd.s32 $0x400, s0;
	_ =	strace $0x80000047;
	s5 =	smul.u32 $0x19000, s3  }
0x9: {  	s3 =	sadd.s32 $0x64400, s0;
	s0 =	sadd.s32 $0x805600, s0;
	s8 =	sshrl.u32 s6, $0x1  }
0xa: {  	s6 =	ssub.s32 s6, s8;
	s15 =	sadd.s32 s9, s7;
	s1 =	sadd.s32 s1, s13  }
0xb: {  	s5 =	sshrl.u32 s5, $0x3;
	s18 =	sor.u32 $0xC000, s15;
	s6 =	smax.u32 s6, $0x1  }
0xc: {  	s20 =	sor.u32 $0x700, s1;
	s21 =	sor.u32 $0x600, s1;
	s24 =	sshll.u32 s1, $0x3  }
0xd: {  	s25 =	sor.u32 $0x500, s1;
	s1 =	sor.u32 $0x400, s1;
	s14 =	sadd.s32 s4, s5  }
0xe: {  	s7 =	sshrl.u32 s18, $0x3;
	[dreg:$0x6] =	wrdreg s6;
	s5 =	sshrl.u32 s15, $0x3  }
0xf: {  	s6 =	sshrl.u32 s20, $0x3;
	s23 =	sshrl.u32 s21, $0x3;
	s26 =	sshrl.u32 s25, $0x3  }
0x10: {  	s1 =	sshrl.u32 s1, $0x3;
	s21 =	simm.s32 $0x80;
	s25 =	simm.s32 $0x4400  }
0x11: {  	s16 =	sadd.s32 $0x20, s14;
	s17 =	sadd.s32 $0x40, s14;
	[dreg:$0x2] =	wrdreg s14  }
0x12: {  	s19 =	sadd.s32 $0x60, s14;
	s9 =	sadd.s32 s7, s0;
	s10 =	sadd.s32 s5, s0  }
0x13: {  	s22 =	sadd.s32 s6, s4;
	s5 =	sadd.s32 s23, s4;
	[dreg:$0x3] =	wrdreg s16  }
0x14: {  	s0 =	sadd.s32 s24, s0;
	s29 =	sadd.s32 s1, s4;
	[dreg:$0x4] =	wrdreg s17  }
0x15: {  	s1 =	simm.s32 $0x4;
	s23 =	simm.s32 $0xC400;
	[dreg:$0x5] =	wrdreg s19  }
.Ltmp0:
0x16: {  	s6 =	simm.s32 $0x8;
	[dreg:$0x7] =	wrdreg s22;
	(pc) =	sbr.rel .LBB2_1-.Ltmp0, $4  }
0x17: {  	[dreg:$0x8] =	wrdreg s5;
	s13 =	sadd.s32 $0x1000, s0;
	s5 =	sadd.s32 s26, s4  }
0x18: {  	s15 =	sadd.s32 $0x800, s0;
	[dreg:$0xa] =	wrdreg s29;
	s19 =	simm.s32 $0x300  }
0x19: {  	s22 =	simm.s32 $0x400;
	s26 =	simm.s32 $0x380;
	s0 =	simm.s32 $0x6  }
0x1a: {  	s4 =	simm.s32 $0xC;
	[dreg:$0x9] =	wrdreg s5;
	s5 =	simm.s32 $0x7  }
.LBB2_4:
0x1b: {  	s7 =	simm.s32 $0x9  }
0x1c: {  	_ =	swait.ge [sflag:s7], $0x4000  }
0x1d: {  	[sflag:s7] =	ssyncset.done $0x0  }
0x1e: {  	s24 =	simm.s32 $0xA;
	[sflag:s7] =	ssyncadd.s32 $0xFFFFC000  }
0x1f: {  	_ =	swait.ge [sflag:s24], $0x4000  }
0x20: {  	[sflag:s24] =	ssyncset.done $0x0  }
0x21: {  	[sflag:s24] =	ssyncadd.s32 $0xFFFFC000  }
0x22: {  	_ =	swait.ge [sflag:s11], $0x4000  }
0x23: {  	[sflag:s11] =	ssyncset.done $0x0  }
0x24: {  	[sflag:s11] =	ssyncadd.s32 $0xFFFFC000  }
0x25: {  	_ =	swait.ge [sflag:s4], $0x4000  }
0x26: {  	s12 =	sadd.s32 $0x1, s12;
	s29 =	rddreg [dreg:$0x6]  }
0x27: {  	p0 =	sne.s32 s12, s29  }
.Ltmp1:
0x28: {  	_ = 	snop;
	(pc) =	sbr.rel @!p0 .LBB2_5-.Ltmp1, $3  }
0x29: {  	_ =	sdelay $0x1  }
0x2a: {  	[sflag:s4] =	ssyncset.done $0x0  }
0x2b: {  	[sflag:s4] =	ssyncadd.s32 $0xFFFFC000  }
.LBB2_1:
0x2c: {  	s7 =	rddreg [dreg:$0x2]  }
0x2d: {  	[tilespmem:s2], [sflag:$0x1] =	stream.linear.gather [hbm4b:s7+s2], $0x100, $0x38;
	[tilespmem:$0x10400] =	vst v63  }
0x2e: {  	s17 =	rddreg [dreg:$0x3];
	s8 =	simm.s32 $0x100  }
0x2f: {  	[tilespmem:s8], [sflag:$0x2] =	stream.linear.gather [hbm4b:s17+s2], $0x100, $0x38;
	[tilespmem:$0x10400] =	vst v63  }
0x30: {  	s18 =	rddreg [dreg:$0x4];
	s14 =	simm.s32 $0x200  }
0x31: {  	[tilespmem:s14], [sflag:$0x3] =	stream.linear.gather [hbm4b:s18+s2], $0x100, $0x38;
	[tilespmem:$0x10400] =	vst v63  }
0x32: {  	s20 =	rddreg [dreg:$0x5];
	s24 =	simm.s32 $0x1  }
0x33: {  	[tilespmem:s19], [sflag:$0x4] =	stream.linear.gather [hbm4b:s20+s2], $0x100, $0x38;
	[tilespmem:$0x10400] =	vst v63  }
0x34: {  	_ =	swait.ge [sflag:s24], $0x100  }
0x35: {  	[sflag:s24] =	ssyncset.done $0x0  }
0x36: {  	[sflag:s24] =	ssyncadd.s32 $0xFFFFFF00  }
0x37: {  	[tilespmem:s22], [sflag:$0x5] =	stream.indirect.gather [hbm4b:s3+s21], $0x40, s2, s21, $0xb8;
	[tilespmem:$0x10400] =	vst v63  }
0x38: {  	s29 =	simm.s32 $0x2400;
	s16 =	simm.s32 $0x2  }
0x39: {  	[tilespmem:s29], [sflag:$0x5] =	stream.indirect.gather [hbm4b:s3+s21], $0x40, s21, s21, $0xb8;
	[tilespmem:$0x10400] =	vst v63  }
0x3a: {  	_ =	swait.ge [sflag:s16], $0x100  }
0x3b: {  	[sflag:s16] =	ssyncset.done $0x0  }
0x3c: {  	[sflag:s16] =	ssyncadd.s32 $0xFFFFFF00  }
0x3d: {  	[tilespmem:s25], [sflag:$0x6] =	stream.indirect.gather [hbm4b:s3+s21], $0x40, s8, s21, $0xb8;
	[tilespmem:$0x10400] =	vst v63  }
0x3e: {  	s17 =	simm.s32 $0x180;
	s18 =	simm.s32 $0x6400;
	s20 =	simm.s32 $0x3  }
0x3f: {  	[tilespmem:s18], [sflag:$0x6] =	stream.indirect.gather [hbm4b:s3+s21], $0x40, s17, s21, $0xb8;
	[tilespmem:$0x10400] =	vst v63  }
0x40: {  	_ =	swait.ge [sflag:s20], $0x100  }
0x41: {  	s16 =	rddreg [dreg:$0xa]  }
0x42: {  	[sflag:s20] =	ssyncset.done $0x0;
	s18 =	rddreg [dreg:$0x8]  }
0x43: {  	s24 =	simm.s32 $0x280;
	s17 =	rddreg [dreg:$0x7];
	[sflag:s20] =	ssyncadd.s32 $0xFFFFFF00  }
0x44: {  	[tilespmem:s30], [sflag:$0x7] =	stream.indirect.gather [hbm4b:s3+s21], $0x40, s14, s21, $0xb8;
	[tilespmem:$0x10400] =	vst v63  }
0x45: {  	s29 =	simm.s32 $0xA400;
	s20 =	simm.s32 $0x0;
	s14 =	rddreg [dreg:$0x9]  }
0x46: {  	[tilespmem:s29], [sflag:$0x7] =	stream.indirect.gather [hbm4b:s3+s21], $0x40, s24, s21, $0xb8;
	[tilespmem:$0x10400] =	vst v63  }
.LBB2_2:
0x47: {  	_ =	swait.ge [sflag:s1], $0x100  }
0x48: {  	p0 =	seq.s32 s20, $0x0;
	[sflag:s1] =	ssyncset.done $0x0  }
0x49: {  	s24 =	simm.s32 @!p0 $0xC;
	[sflag:s1] =	ssyncadd.s32 $0xFFFFFF00  }
0x4a: {  	_ =	swait.ge @!p0 [sflag:s24], $0x4000  }
0x4b: {  	[sflag:s24] =	ssyncset.done @!p0 $0x0  }
0x4c: {  	[sflag:s24] =	ssyncadd.s32 @!p0 $0xFFFFC000  }
0x4d: {  	[tilespmem:s23], [sflag:$0x8] =	stream.indirect.gather [hbm4b:s3+s21], $0x40, s19, s21, $0xb8;
	[tilespmem:$0x10400] =	vst v63  }
0x4e: {  	_ = 	snop  }
0x4f: {  	[tilespmem:s28], [sflag:$0x8] =	stream.indirect.gather [hbm4b:s3+s21], $0x40, s26, s21, $0xb8;
	[tilespmem:$0x10400] =	vst v63  }
0x50: {  	_ =	swait.ge [sflag:s31], $0x2000  }
0x51: {  	[sflag:s31] =	ssyncset.done $0x0  }
0x52: {  	[sflag:s31] =	ssyncadd.s32 $0xFFFFE000  }
0x53: {  	_ =	swait.ge [sflag:s31], $0x2000  }
0x54: {  	[sflag:s31] =	ssyncset.done $0x0  }
0x55: {  	s7 =	sadd.s32 s20, s10;
	p0 =	seq.s32 s20, $0xC6000;
	[sflag:s31] =	ssyncadd.s32 $0xFFFFE000  }
0x56: {  	[hbm4b:s7+s2] =	stream.linear.scatter [tilespmem:s22], [sflag:$0x9], $0x4000, $0x38;
	[tilespmem:$0x10400] =	vst v63  }
0x57: {  	s24 =	simm.s32 @!p0 $0x0;
	s29 =	simm.s32 @!p0 $0x1  }
0x58: {  	[tilespmem:s24], [sflag:$0x1] =	stream.linear.gather @!p0 [hbm4b:s16+s24], $0x100, $0x38;
	[tilespmem:$0x10400] =	vst v63  }
0x59: {  	_ =	swait.ge @!p0 [sflag:s29], $0x100  }
0x5a: {  	[sflag:s29] =	ssyncset.done @!p0 $0x0  }
0x5b: {  	[sflag:s29] =	ssyncadd.s32 @!p0 $0xFFFFFF00;
	s29 =	simm.s32 @!p0 $0x9  }
0x5c: {  	_ =	swait.ge @!p0 [sflag:s29], $0x4000  }
0x5d: {  	[sflag:s29] =	ssyncset.done @!p0 $0x0  }
0x5e: {  	s7 =	simm.s32 @!p0 $0x400;
	[sflag:s29] =	ssyncadd.s32 @!p0 $0xFFFFC000;
	s29 =	simm.s32 @!p0 $0x80  }
0x5f: {  	[tilespmem:s7], [sflag:$0x5] =	stream.indirect.gather @!p0 [hbm4b:s3+s29], $0x40, s24, s29, $0xb8;
	[tilespmem:$0x10400] =	vst v63  }
0x60: {  	s7 =	simm.s32 @!p0 $0x2400  }
0x61: {  	[tilespmem:s7], [sflag:$0x5] =	stream.indirect.gather @!p0 [hbm4b:s3+s29], $0x40, s29, s29, $0xb8;
	[tilespmem:$0x10400] =	vst v63  }
0x62: {  	_ =	swait.ge [sflag:s0], $0x2000  }
0x63: {  	[sflag:s0] =	ssyncset.done $0x0  }
0x64: {  	[sflag:s0] =	ssyncadd.s32 $0xFFFFE000  }
0x65: {  	_ =	swait.ge [sflag:s0], $0x2000  }
0x66: {  	[sflag:s0] =	ssyncset.done $0x0  }
0x67: {  	s8 =	sadd.s32 s20, s15;
	[sflag:s0] =	ssyncadd.s32 $0xFFFFE000  }
0x68: {  	[hbm4b:s8+s2] =	stream.linear.scatter [tilespmem:s25], [sflag:$0xA], $0x4000, $0x38;
	[tilespmem:$0x10400] =	vst v63  }
0x69: {  	s7 =	simm.s32 @!p0 $0x100;
	s8 =	simm.s32 @!p0 $0x2  }
0x6a: {  	[tilespmem:s7], [sflag:$0x2] =	stream.linear.gather @!p0 [hbm4b:s14+s24], $0x100, $0x38;
	[tilespmem:$0x10400] =	vst v63  }
0x6b: {  	_ =	swait.ge @!p0 [sflag:s8], $0x100  }
0x6c: {  	[sflag:s8] =	ssyncset.done @!p0 $0x0  }
0x6d: {  	[sflag:s8] =	ssyncadd.s32 @!p0 $0xFFFFFF00;
	s8 =	simm.s32 @!p0 $0xA  }
0x6e: {  	_ =	swait.ge @!p0 [sflag:s8], $0x4000  }
0x6f: {  	[sflag:s8] =	ssyncset.done @!p0 $0x0  }
0x70: {  	[sflag:s8] =	ssyncadd.s32 @!p0 $0xFFFFC000;
	s8 =	simm.s32 @!p0 $0x4400  }
0x71: {  	[tilespmem:s8], [sflag:$0x6] =	stream.indirect.gather @!p0 [hbm4b:s3+s29], $0x40, s7, s29, $0xb8;
	[tilespmem:$0x10400] =	vst v63  }
0x72: {  	s7 =	simm.s32 @!p0 $0x180;
	s8 =	simm.s32 @!p0 $0x6400  }
0x73: {  	[tilespmem:s8], [sflag:$0x6] =	stream.indirect.gather @!p0 [hbm4b:s3+s29], $0x40, s7, s29, $0xb8;
	[tilespmem:$0x10400] =	vst v63  }
0x74: {  	_ =	swait.ge [sflag:s5], $0x2000  }
0x75: {  	[sflag:s5] =	ssyncset.done $0x0  }
0x76: {  	[sflag:s5] =	ssyncadd.s32 $0xFFFFE000  }
0x77: {  	_ =	swait.ge [sflag:s5], $0x2000  }
0x78: {  	[sflag:s5] =	ssyncset.done $0x0  }
0x79: {  	s8 =	sadd.s32 s20, s13;
	[sflag:s5] =	ssyncadd.s32 $0xFFFFE000  }
0x7a: {  	[hbm4b:s8+s2] =	stream.linear.scatter [tilespmem:s30], [sflag:$0xB], $0x4000, $0x38;
	[tilespmem:$0x10400] =	vst v63  }
0x7b: {  	s7 =	simm.s32 @!p0 $0x200;
	s8 =	simm.s32 @!p0 $0x3  }
0x7c: {  	[tilespmem:s7], [sflag:$0x3] =	stream.linear.gather @!p0 [hbm4b:s18+s24], $0x100, $0x38;
	[tilespmem:$0x10400] =	vst v63  }
0x7d: {  	_ =	swait.ge @!p0 [sflag:s8], $0x100  }
0x7e: {  	[sflag:s8] =	ssyncset.done @!p0 $0x0  }
0x7f: {  	[sflag:s8] =	ssyncadd.s32 @!p0 $0xFFFFFF00;
	s8 =	simm.s32 @!p0 $0xB  }
0x80: {  	_ =	swait.ge @!p0 [sflag:s8], $0x4000  }
0x81: {  	[sflag:s8] =	ssyncset.done @!p0 $0x0  }
0x82: {  	[sflag:s8] =	ssyncadd.s32 @!p0 $0xFFFFC000;
	s8 =	simm.s32 @!p0 $0x8400  }
0x83: {  	[tilespmem:s8], [sflag:$0x7] =	stream.indirect.gather @!p0 [hbm4b:s3+s29], $0x40, s7, s29, $0xb8;
	[tilespmem:$0x10400] =	vst v63  }
0x84: {  	s7 =	simm.s32 @!p0 $0x280;
	s8 =	simm.s32 @!p0 $0xA400  }
0x85: {  	[tilespmem:s8], [sflag:$0x7] =	stream.indirect.gather @!p0 [hbm4b:s3+s29], $0x40, s7, s29, $0xb8;
	[tilespmem:$0x10400] =	vst v63  }
0x86: {  	_ =	swait.ge [sflag:s6], $0x2000  }
0x87: {  	[sflag:s6] =	ssyncset.done $0x0  }
.Ltmp2:
0x88: {  	[sflag:s6] =	ssyncadd.s32 $0xFFFFE000;
	(pc) =	sbr.rel @p0 .LBB2_4-.Ltmp2, $4  }
0x89: {  	_ =	swait.ge [sflag:s6], $0x2000  }
0x8a: {  	[sflag:s6] =	ssyncset.done $0x0  }
0x8b: {  	s29 =	sadd.s32 s20, s9;
	[sflag:s6] =	ssyncadd.s32 $0xFFFFE000  }
0x8c: {  	[hbm4b:s29+s2] =	stream.linear.scatter [tilespmem:s23], [sflag:$0xC], $0x4000, $0x38;
	[tilespmem:$0x10400] =	vst v63  }
.Ltmp3:
0x8d: {  	(pc) =	sbr.rel .LBB2_2-.Ltmp3, $4  }
0x8e: {  	_ = 	snop  }
0x8f: {  	[tilespmem:s19], [sflag:$0x4] =	stream.linear.gather [hbm4b:s17+s2], $0x100, $0x38;
	[tilespmem:$0x10400] =	vst v63  }
0x90: {  	s20 =	sadd.s32 $0x2000, s20;
	s17 =	sadd.s32 $0x80, s17  }
0x91: {  	s18 =	sadd.s32 $0x80, s18;
	s14 =	sadd.s32 $0x80, s14;
	s16 =	sadd.s32 $0x80, s16  }
.LBB2_5:
0x92: {  	_ =	sfence.sel $0x180000  }
0x93: {  	[bflag:$0x0] =	sbarrier.arrive $0xFFFF  }
0x94: {  	_ =	strace $0x90000047  }
0x95: {  	s0 =	stileid.u32;
	[bflag:$0x2] =	sbarrier.arrive $0xFFFF  }
0x96: {  	p0 =	sne.s32 s0, $0x0;
	s0 =	rddreg [dreg:$0x1]  }
0x97: {  	s0 =	sadd.s32 @!p0 $0x100000, s0  }
0x98: {  	[sflag:s0] =	ssyncadd.tile.s32 @!p0 $0x1;
	_ =	shalt  }
.Lfunc_end2:
_tile_overlayer_lowered:
.L_overlay_start_2:
0x99: {  	(tag) =	ssettag $0x2  }
0x9a: {  	s0 =	rddreg [dreg:$0x0];
	s2 =	stileid.u32  }
0x9b: {  	s1 =	rddreg [dreg:$0x1];
	p0 =	sne.s32 s2, $0x0  }
0x9c: {  	s3 =	rddreg [dreg:$0x2];
	[bflag:$0x3] =	sbarrier.arrive $0xFFFF;
	s2 =	simm.s32 @!p0 $0x1C0D  }
0x9d: {  	[timem:s3], [sflag:s2] =	dma.local @!p0 [hbm:s0], s1  }
0x9e: {  	s0 =	simm.s32 @!p0 $0xD  }
0x9f: {  	_ =	swait.ge @!p0 [sflag:s0], s1  }
0xa0: {  	s1 =	ssub.s32 @!p0 $0x0, s1;
	[sflag:s0] =	ssyncset.done @!p0 $0x0  }
0xa1: {  	[sflag:s0] =	ssyncadd.s32 @!p0 s1  }
0xa2: {  	[bflag:$0x3] =	sbarrier.arrive $0xFFFF  }
0xa3: {  	_ =	shalt  }

</sc_bundles>
